<compile_context>
chip_gen: v7x
topology: tpu7x:2x2x1
jax: 0.10.2.dev20260603
libtpu: 0.0.44.dev20260713+nightly
codegen_flags: <defaults>
</compile_context>

<pallas_src>
import functools
import math

import jax
import jax.numpy as jnp
from jax import lax
from jax.experimental import pallas as pl
from jax.experimental.pallas import tpu as pltpu
from jax.experimental.pallas import tpu_sc as plsc

AVG_NEIGH = 32.0
NUM_SCALARS = 32
NUM_VEC = 32

NC = 2
NS = 16
NW = NC * NS
CHUNK = 80
NBUF = 2


def _feats_body(nf_ref, wup_ref, out_ref):
    out_ref[...] = jnp.dot(nf_ref[...], wup_ref[...],
                           preferred_element_type=jnp.float32)


def _edge_scalar_body(eft_ref, ret_ref, wr1t_ref, br1_ref, wr2t_ref, out_ref):
    h = jnp.dot(wr1t_ref[...], ret_ref[...],
                preferred_element_type=jnp.float32) + br1_ref[...]
    h = h * jax.nn.sigmoid(h)
    rwt = jnp.dot(wr2t_ref[...], h, preferred_element_type=jnp.float32)
    es = jnp.sum(eft_ref[...] * rwt, axis=0)
    blk = es.shape[0]
    out_ref[pl.ds(pl.program_id(0) * blk, blk)] = es


def _make_sc_kernel(n_nodes, d, n_edges):
    mesh = plsc.VectorSubcoreMesh(core_axis_name="c", subcore_axis_name="s")
    rows_per_sub = (n_nodes // NS) // 8 * 8
    tail_rows = n_nodes - rows_per_sub * NS
    tail_base = rows_per_sub * NS
    ew = n_edges // NW
    assert ew * NW == n_edges and ew % 8 == 0
    nch, etail = divmod(ew, CHUNK)

    @functools.partial(
        pl.kernel,
        out_type=jax.ShapeDtypeStruct((NC, n_nodes, d), jnp.float32),
        mesh=mesh,
        compiler_params=pltpu.CompilerParams(needs_layout_passes=False),
        scratch_types=[
            pltpu.VMEM((ew,), jnp.int32),
            pltpu.VMEM((ew,), jnp.int32),
            pltpu.VMEM((ew,), jnp.float32),
            pltpu.VMEM((NBUF, CHUNK, d), jnp.float32),
            pltpu.VMEM((NBUF, CHUNK), jnp.int32),
            pltpu.VMEM((etail if etail else 16,), jnp.int32),
            pltpu.VMEM_SHARED((n_nodes, d), jnp.float32),
            pltpu.SemaphoreType.DMA,
            pltpu.SemaphoreType.DMA,
        ],
    )
    def sc_kernel(feats_hbm, snd_hbm, rcv_hbm, es_hbm, out_hbm,
                  snd_v, rcv_v, es_v, rows_v, ridx_v, tidx_v, agg_sh,
                  gsem, msem):
        cid = lax.axis_index("c")
        sid = lax.axis_index("s")
        wid = cid * NS + sid
        ebase = wid * ew

        meta = [
            pltpu.async_copy(snd_hbm.at[pl.ds(ebase, ew)], snd_v, msem),
            pltpu.async_copy(rcv_hbm.at[pl.ds(ebase, ew)], rcv_v, msem),
            pltpu.async_copy(es_hbm.at[pl.ds(ebase, ew)], es_v, msem),
        ]

        zero16 = jnp.zeros((16,), jnp.float32)

        def zrow(i, _):
            for dd in range(d // 16):
                rows_v[0, i, pl.ds(dd * 16, 16)] = zero16
            return 0

        lax.fori_loop(0, CHUNK, zrow, 0)
        base_node = sid * rows_per_sub
        zfull, zrem = divmod(rows_per_sub, CHUNK)
        for k in range(zfull):
            pltpu.sync_copy(rows_v.at[0],
                            agg_sh.at[pl.ds(base_node + k * CHUNK, CHUNK)])
        if zrem:
            pltpu.sync_copy(rows_v.at[0, pl.ds(0, zrem)],
                            agg_sh.at[pl.ds(base_node + zfull * CHUNK, zrem)])
        if tail_rows:
            @pl.when(sid == 0)
            def _zero_tail():
                pltpu.sync_copy(rows_v.at[0, pl.ds(0, tail_rows)],
                                agg_sh.at[pl.ds(tail_base, tail_rows)])
        for m in meta:
            m.wait()
        plsc.subcore_barrier()

        def issue_gather(c, b):
            return pltpu.async_copy(
                feats_hbm.at[snd_v.at[pl.ds(c * CHUNK, CHUNK)]],
                rows_v.at[b], gsem)

        def wait_gather(c, b):
            pltpu.make_async_copy(
                feats_hbm.at[snd_v.at[pl.ds(c * CHUNK, CHUNK)]],
                rows_v.at[b], gsem).wait()

        def scale_rows(c, b, nrows):
            def edge_body(e, _):
                s = plsc.load_gather(
                    es_v, [jnp.full((16,), c * CHUNK + e, jnp.int32)])
                for dd in range(d // 16):
                    sl = pl.ds(dd * 16, 16)
                    rows_v[b, e, sl] = rows_v[b, e, sl] * s
                return 0

            lax.fori_loop(0, nrows, edge_body, 0, unroll=8)

        def scale_and_scatter(c, b):
            scale_rows(c, b, CHUNK)
            for i in range(CHUNK // 16):
                ridx_v[b, pl.ds(16 * i, 16)] = (
                    rcv_v[pl.ds(c * CHUNK + 16 * i, 16)])
            pltpu.sync_copy(rows_v.at[b], agg_sh.at[ridx_v.at[b]], add=True)

        issue_gather(0, 0)

        def chunk_body(c, _):
            b = lax.rem(c, 2)

            @pl.when(c + 1 < nch)
            def _prefetch():
                issue_gather(c + 1, 1 - b)

            wait_gather(c, b)
            scale_and_scatter(c, b)
            return 0

        lax.fori_loop(0, nch, chunk_body, 0)

        if etail:
            pltpu.async_copy(
                feats_hbm.at[snd_v.at[pl.ds(nch * CHUNK, etail)]],
                rows_v.at[0, pl.ds(0, etail)], gsem).wait()
            scale_rows(nch, 0, etail)
            for i in range(etail // 16):
                tidx_v[pl.ds(16 * i, 16)] = (
                    rcv_v[pl.ds(nch * CHUNK + 16 * i, 16)])
            pltpu.sync_copy(rows_v.at[0, pl.ds(0, etail)],
                            agg_sh.at[tidx_v], add=True)

        plsc.subcore_barrier()

        pltpu.sync_copy(agg_sh.at[pl.ds(base_node, rows_per_sub)],
                        out_hbm.at[cid, pl.ds(base_node, rows_per_sub)])
        if tail_rows:
            @pl.when(sid == 0)
            def _write_tail():
                pltpu.sync_copy(agg_sh.at[pl.ds(tail_base, tail_rows)],
                                out_hbm.at[cid, pl.ds(tail_base, tail_rows)])

    return sc_kernel


def _final_body(nf_ref, a0_ref, a1_ref, sp_ref, wd_ref, ws_ref, out_ref):
    inv = 1.0 / math.sqrt(AVG_NEIGH)
    agg = (a0_ref[0] + a1_ref[0]) * inv
    down = jnp.dot(agg, wd_ref[...], preferred_element_type=jnp.float32)
    nf = nf_ref[...]
    sp = sp_ref[...]
    skip = jnp.zeros_like(down)
    for s in range(ws_ref.shape[0]):
        contrib = jnp.dot(nf, ws_ref[s], preferred_element_type=jnp.float32)
        skip = skip + jnp.where(sp == s, contrib, 0.0)
    x = 0.5 * (down + skip)
    nsc = NUM_SCALARS
    nv3 = 3 * NUM_VEC
    scal = x[:, :nsc]
    vecs = x[:, nsc:nsc + nv3]
    gates = x[:, nsc + nv3:]
    g = gates * jax.nn.sigmoid(gates)
    row_i = lax.broadcasted_iota(jnp.int32, (NUM_VEC, nv3), 0)
    col_i = lax.broadcasted_iota(jnp.int32, (NUM_VEC, nv3), 1)
    rep = (row_i == col_i // 3).astype(jnp.float32)
    gmul = jnp.dot(g, rep, preferred_element_type=jnp.float32)
    out_ref[...] = jnp.concatenate(
        [scal * jax.nn.sigmoid(scal), vecs * gmul], axis=1)


def kernel(node_features, edge_features, radial_embedding, senders, receivers,
           node_species, W_up, Wr1, br1, Wr2, W_down, W_skip):
    n, d = node_features.shape
    e, sh = edge_features.shape
    r = radial_embedding.shape[1]
    gate_d = W_down.shape[1]

    nblk = 2000
    feats = pl.pallas_call(
        _feats_body,
        grid=(n // nblk,),
        in_specs=[pl.BlockSpec((nblk, d), lambda i: (i, 0)),
                  pl.BlockSpec((d, d), lambda i: (0, 0))],
        out_specs=pl.BlockSpec((nblk, d), lambda i: (i, 0)),
        out_shape=jax.ShapeDtypeStruct((n, d), jnp.float32),
    )(node_features, W_up)

    eblk = 16000
    es2 = pl.pallas_call(
        _edge_scalar_body,
        grid=(e // eblk,),
        in_specs=[pl.BlockSpec((sh, eblk), lambda i: (0, i)),
                  pl.BlockSpec((r, eblk), lambda i: (0, i)),
                  pl.BlockSpec((r, r), lambda i: (0, 0)),
                  pl.BlockSpec((r, 1), lambda i: (0, 0)),
                  pl.BlockSpec((sh, r), lambda i: (0, 0))],
        out_specs=pl.BlockSpec((e,), lambda i: (0,)),
        out_shape=jax.ShapeDtypeStruct((e,), jnp.float32),
    )(edge_features.T, radial_embedding.T, Wr1.T, br1.reshape(r, 1), Wr2.T)

    agg2 = _make_sc_kernel(n, d, e)(feats, senders, receivers, es2)

    out = pl.pallas_call(
        _final_body,
        grid=(n // nblk,),
        in_specs=[pl.BlockSpec((nblk, d), lambda i: (i, 0)),
                  pl.BlockSpec((1, nblk, d), lambda i: (0, i, 0)),
                  pl.BlockSpec((1, nblk, d), lambda i: (1, i, 0)),
                  pl.BlockSpec((nblk, 1), lambda i: (i, 0)),
                  pl.BlockSpec((d, gate_d), lambda i: (0, 0)),
                  pl.BlockSpec(W_skip.shape, lambda i: (0, 0, 0))],
        out_specs=pl.BlockSpec((nblk, d), lambda i: (i, 0)),
        out_shape=jax.ShapeDtypeStruct((n, d), jnp.float32),
    )(node_features, agg2, agg2, node_species.reshape(n, 1),
      W_down, W_skip)
    return out

# --- scband reference (transcript-rebuilt; emitter-appended) ---
"""Pipeline reference for scband-interaction-block-79654463472005 (READ-ONLY COPY).

The authoritative reference and input builder live on the scoring server;
editing this copy changes nothing except your own understanding.
"""

import jax, jax.numpy as jnp
import numpy as np

N = 10000
E = 320000
D = 128            # node feature dim: irreps 32x0e + 32x1o -> 32 + 96 = 128
SH = 16            # edge spherical-harmonic dim: 0e+1o+2e+3o -> 1+3+5+7 = 16
R = 8              # radial embedding / radial MLP width (radial_num_neurons=8)
NUM_SCALARS = 32   # 32x0e
NUM_VEC = 32       # 32x1o (dim 96)
GATE_D = D + NUM_VEC  # linear_down output: 32 scalars + 96 vec dims + 32 gate scalars = 160
NUM_SPECIES = 5
AVG_NEIGH = 32.0


def setup_inputs(seed: int = 0) -> dict:
    key = jax.random.key(seed)
    ks = jax.random.split(key, 12)
    node_features = jax.random.normal(ks[0], (N, D), dtype=jnp.float32)
    edge_features = jax.random.normal(ks[1], (E, SH), dtype=jnp.float32)
    radial_embedding = jax.random.normal(ks[2], (E, R), dtype=jnp.float32)
    senders = jax.random.randint(ks[3], (E,), 0, N, dtype=jnp.int32)
    receivers = jax.random.randint(ks[4], (E,), 0, N, dtype=jnp.int32)
    node_species = jax.random.randint(ks[5], (N,), 0, NUM_SPECIES, dtype=jnp.int32)
    # learned parameters
    W_up = jax.random.normal(ks[6], (D, D), dtype=jnp.float32) / np.sqrt(D)
    Wr1 = jax.random.normal(ks[7], (R, R), dtype=jnp.float32) / np.sqrt(R)
    br1 = jnp.zeros((R,), dtype=jnp.float32)
    Wr2 = jax.random.normal(ks[8], (R, SH), dtype=jnp.float32) / np.sqrt(R)
    W_down = jax.random.normal(ks[9], (D, GATE_D), dtype=jnp.float32) / np.sqrt(D)
    W_skip = jax.random.normal(ks[10], (NUM_SPECIES, D, GATE_D), dtype=jnp.float32) / np.sqrt(D)
    return {
        'node_features': node_features,
        'edge_features': edge_features,
        'radial_embedding': radial_embedding,
        'senders': senders,
        'receivers': receivers,
        'node_species': node_species,
        'W_up': W_up,
        'Wr1': Wr1,
        'br1': br1,
        'Wr2': Wr2,
        'W_down': W_down,
        'W_skip': W_skip,
    }


def reference(node_features, edge_features, radial_embedding, senders, receivers,
              node_species, W_up, Wr1, br1, Wr2, W_down, W_skip):
    n = node_features.shape[0]
    # 1) linear_up on nodes
    feats = node_features @ W_up
    # 2) message passing: radial MLP (1 hidden layer, swish) produces per-edge TP weights
    h = jax.nn.silu(radial_embedding @ Wr1 + br1)
    rw = h @ Wr2                                   # [E, SH]
    # tensor product of sender features with radially-weighted edge harmonics,
    # contracted over the spherical-harmonic axis (scalar-path contraction)
    edge_scalar = jnp.sum(edge_features * rw, axis=1, keepdims=True)  # [E, 1]
    msgs = feats[senders] * edge_scalar            # gather + modulate  [E, D]
    # aggregate: scatter-add over receivers, normalise by sqrt(avg_num_neighbours)
    agg = jnp.zeros((n, feats.shape[1]), dtype=feats.dtype).at[receivers].add(msgs)
    agg = agg / jnp.sqrt(AVG_NEIGH)
    # 3) linear_down to gate irreps (32x0e + 32x1o + 32x0e gates)
    down = agg @ W_down                            # [N, GATE_D]
    # 4) self connection: species-indexed linear on the original node features
    skips = jnp.einsum('nd,sdk->nsk', node_features, W_skip)          # [N, S, GATE_D]
    skip = jnp.take_along_axis(skips, node_species[:, None, None].astype(jnp.int32), axis=1)[:, 0, :]
    x = 0.5 * (down + skip)
    # 5) gate nonlinearity: even_act=silu on scalars, gates (silu) multiply 1o channels
    scalars = x[:, :NUM_SCALARS]
    vecs = x[:, NUM_SCALARS:NUM_SCALARS + 3 * NUM_VEC]
    gates = x[:, NUM_SCALARS + 3 * NUM_VEC:]
    out_scalars = jax.nn.silu(scalars)
    gated = vecs.reshape(n, NUM_VEC, 3) * jax.nn.silu(gates)[:, :, None]
    return jnp.concatenate([out_scalars, gated.reshape(n, 3 * NUM_VEC)], axis=1)

if __name__ == "__main__":
    import jax
    _d = setup_inputs()
    print(jax.jit(kernel)(*tuple(_d.values())))

</pallas_src>

<mosaic_0001>
#map = affine_map<(d0, d1) -> (0, 0)>
#map1 = affine_map<(d0, d1) -> (0)>
#map2 = affine_map<(d0, d1) -> (0, 0, 0)>
module attributes {stable_mosaic.version = 14 : i64} {
  func.func @sc_kernel(%arg0: i32, %arg1: i32, %arg2: memref<10000x128xf32, #tpu.memory_space<hbm>>, %arg3: memref<320000xi32, #tpu.memory_space<hbm>>, %arg4: memref<320000xi32, #tpu.memory_space<hbm>>, %arg5: memref<320000xf32, #tpu.memory_space<hbm>>, %arg6: memref<2x10000x128xf32, #tpu.memory_space<hbm>>, %arg7: memref<10000xi32, #tpu.memory_space<vmem>>, %arg8: memref<10000xi32, #tpu.memory_space<vmem>>, %arg9: memref<10000xf32, #tpu.memory_space<vmem>>, %arg10: memref<2x80x128xf32, #tpu.memory_space<vmem>>, %arg11: memref<2x80xi32, #tpu.memory_space<vmem>>, %arg12: memref<16xi32, #tpu.memory_space<vmem>>, %arg13: memref<10000x128xf32, #tpu.memory_space<vmem_shared>>, %arg14: memref<!tpu.dma_semaphore, #tpu.memory_space<semaphore_mem>>, %arg15: memref<!tpu.dma_semaphore, #tpu.memory_space<semaphore_mem>>) attributes {dimension_semantics = [#tpu.dimension_semantics<core_parallel>, #tpu.dimension_semantics<subcore_parallel>], iteration_bounds = array<i64: 2, 16>, scalar_prefetch = 0 : i64, scratch_operands = 9 : i64, tpu.core_type = #tpu.core_type<sc_vector_subcore>, window_params = [{transform_indices = #map}, {transform_indices = #map1}, {transform_indices = #map1}, {transform_indices = #map1}, {transform_indices = #map2}]} {
    %mul3A = arith.constant 16 : i32
    %mul3A_0 = arith.muli %arg0, %mul3A : i32
    %add3A = arith.addi %mul3A_0, %arg1 : i32
    %mul3A_1 = arith.constant 10000 : i32
    %mul3A_2 = arith.muli %add3A, %mul3A_1 : i32
    %dma_start3A = tpu.memref_slice %arg3[%mul3A_2] : memref<320000xi32, #tpu.memory_space<hbm>> -> memref<10000xi32, #tpu.memory_space<hbm>>
    %dma_start3A_3 = tpu.memref_slice %arg3[%mul3A_2] : memref<320000xi32, #tpu.memory_space<hbm>> -> memref<10000xi32, #tpu.memory_space<hbm>>
    tpu.enqueue_dma source(%dma_start3A_3 : memref<10000xi32, #tpu.memory_space<hbm>>) target(%arg7 : memref<10000xi32, #tpu.memory_space<vmem>>) target_semaphore(%arg15 : memref<!tpu.dma_semaphore, #tpu.memory_space<semaphore_mem>>)
    %dma_start3A_4 = tpu.memref_slice %arg4[%mul3A_2] : memref<320000xi32, #tpu.memory_space<hbm>> -> memref<10000xi32, #tpu.memory_space<hbm>>
    %dma_start3A_5 = tpu.memref_slice %arg4[%mul3A_2] : memref<320000xi32, #tpu.memory_space<hbm>> -> memref<10000xi32, #tpu.memory_space<hbm>>
    tpu.enqueue_dma source(%dma_start3A_5 : memref<10000xi32, #tpu.memory_space<hbm>>) target(%arg8 : memref<10000xi32, #tpu.memory_space<vmem>>) target_semaphore(%arg15 : memref<!tpu.dma_semaphore, #tpu.memory_space<semaphore_mem>>)
    %dma_start3A_6 = tpu.memref_slice %arg5[%mul3A_2] : memref<320000xf32, #tpu.memory_space<hbm>> -> memref<10000xf32, #tpu.memory_space<hbm>>
    %dma_start3A_7 = tpu.memref_slice %arg5[%mul3A_2] : memref<320000xf32, #tpu.memory_space<hbm>> -> memref<10000xf32, #tpu.memory_space<hbm>>
    tpu.enqueue_dma source(%dma_start3A_7 : memref<10000xf32, #tpu.memory_space<hbm>>) target(%arg9 : memref<10000xf32, #tpu.memory_space<vmem>>) target_semaphore(%arg15 : memref<!tpu.dma_semaphore, #tpu.memory_space<semaphore_mem>>)
    %broadcast_in_dim3A = arith.constant 0.000000e+00 : f32
    %broadcast_in_dim3A_8 = vector.broadcast %broadcast_in_dim3A : f32 to vector<16xf32>
    %scan3A = arith.constant 0 : i32
    %scan3A_9 = arith.constant 0 : i32
    %scan3A_10 = arith.constant 80 : i32
    %scan3A_11 = arith.addi %scan3A_9, %scan3A_10 : i32
    %scan3A_12 = arith.constant 1 : i32
    %scan3A_13 = scf.for %scan3A_70 = %scan3A_9 to %scan3A_11 step %scan3A_12 iter_args(%scan3A_71 = %scan3A) -> (i32)  : i32 {
      %swap3A = arith.constant 0 : i32
      %swap3A_72 = arith.index_cast %swap3A : i32 to index
      %swap3A_73 = arith.index_cast %scan3A_70 : i32 to index
      %swap3A_74 = arith.constant 0 : index
      %swap3A_75 = tpu.vector_load %arg10[%swap3A_72, %swap3A_73, %swap3A_74] {strides = array<i32>} : memref<2x80x128xf32, #tpu.memory_space<vmem>>, vector<16xf32>,
      tpu.vector_store %arg10[%swap3A_72, %swap3A_73, %swap3A_74], %broadcast_in_dim3A_8 {strides = array<i32>} : memref<2x80x128xf32, #tpu.memory_space<vmem>>, vector<16xf32>,
      %swap3A_76 = arith.constant 0 : i32
      %swap3A_77 = arith.index_cast %swap3A_76 : i32 to index
      %swap3A_78 = arith.index_cast %scan3A_70 : i32 to index
      %swap3A_79 = arith.constant 16 : index
      %swap3A_80 = tpu.vector_load %arg10[%swap3A_77, %swap3A_78, %swap3A_79] {strides = array<i32>} : memref<2x80x128xf32, #tpu.memory_space<vmem>>, vector<16xf32>,
      tpu.vector_store %arg10[%swap3A_77, %swap3A_78, %swap3A_79], %broadcast_in_dim3A_8 {strides = array<i32>} : memref<2x80x128xf32, #tpu.memory_space<vmem>>, vector<16xf32>,
      %swap3A_81 = arith.constant 0 : i32
      %swap3A_82 = arith.index_cast %swap3A_81 : i32 to index
      %swap3A_83 = arith.index_cast %scan3A_70 : i32 to index
      %swap3A_84 = arith.constant 32 : index
      %swap3A_85 = tpu.vector_load %arg10[%swap3A_82, %swap3A_83, %swap3A_84] {strides = array<i32>} : memref<2x80x128xf32, #tpu.memory_space<vmem>>, vector<16xf32>,
      tpu.vector_store %arg10[%swap3A_82, %swap3A_83, %swap3A_84], %broadcast_in_dim3A_8 {strides = array<i32>} : memref<2x80x128xf32, #tpu.memory_space<vmem>>, vector<16xf32>,
      %swap3A_86 = arith.constant 0 : i32
      %swap3A_87 = arith.index_cast %swap3A_86 : i32 to index
      %swap3A_88 = arith.index_cast %scan3A_70 : i32 to index
      %swap3A_89 = arith.constant 48 : index
      %swap3A_90 = tpu.vector_load %arg10[%swap3A_87, %swap3A_88, %swap3A_89] {strides = array<i32>} : memref<2x80x128xf32, #tpu.memory_space<vmem>>, vector<16xf32>,
      tpu.vector_store %arg10[%swap3A_87, %swap3A_88, %swap3A_89], %broadcast_in_dim3A_8 {strides = array<i32>} : memref<2x80x128xf32, #tpu.memory_space<vmem>>, vector<16xf32>,
      %swap3A_91 = arith.constant 0 : i32
      %swap3A_92 = arith.index_cast %swap3A_91 : i32 to index
      %swap3A_93 = arith.index_cast %scan3A_70 : i32 to index
      %swap3A_94 = arith.constant 64 : index
      %swap3A_95 = tpu.vector_load %arg10[%swap3A_92, %swap3A_93, %swap3A_94] {strides = array<i32>} : memref<2x80x128xf32, #tpu.memory_space<vmem>>, vector<16xf32>,
      tpu.vector_store %arg10[%swap3A_92, %swap3A_93, %swap3A_94], %broadcast_in_dim3A_8 {strides = array<i32>} : memref<2x80x128xf32, #tpu.memory_space<vmem>>, vector<16xf32>,
      %swap3A_96 = arith.constant 0 : i32
      %swap3A_97 = arith.index_cast %swap3A_96 : i32 to index
      %swap3A_98 = arith.index_cast %scan3A_70 : i32 to index
      %swap3A_99 = arith.constant 80 : index
      %swap3A_100 = tpu.vector_load %arg10[%swap3A_97, %swap3A_98, %swap3A_99] {strides = array<i32>} : memref<2x80x128xf32, #tpu.memory_space<vmem>>, vector<16xf32>,
      tpu.vector_store %arg10[%swap3A_97, %swap3A_98, %swap3A_99], %broadcast_in_dim3A_8 {strides = array<i32>} : memref<2x80x128xf32, #tpu.memory_space<vmem>>, vector<16xf32>,
      %swap3A_101 = arith.constant 0 : i32
      %swap3A_102 = arith.index_cast %swap3A_101 : i32 to index
      %swap3A_103 = arith.index_cast %scan3A_70 : i32 to index
      %swap3A_104 = arith.constant 96 : index
      %swap3A_105 = tpu.vector_load %arg10[%swap3A_102, %swap3A_103, %swap3A_104] {strides = array<i32>} : memref<2x80x128xf32, #tpu.memory_space<vmem>>, vector<16xf32>,
      tpu.vector_store %arg10[%swap3A_102, %swap3A_103, %swap3A_104], %broadcast_in_dim3A_8 {strides = array<i32>} : memref<2x80x128xf32, #tpu.memory_space<vmem>>, vector<16xf32>,
      %swap3A_106 = arith.constant 0 : i32
      %swap3A_107 = arith.index_cast %swap3A_106 : i32 to index
      %swap3A_108 = arith.index_cast %scan3A_70 : i32 to index
      %swap3A_109 = arith.constant 112 : index
      %swap3A_110 = tpu.vector_load %arg10[%swap3A_107, %swap3A_108, %swap3A_109] {strides = array<i32>} : memref<2x80x128xf32, #tpu.memory_space<vmem>>, vector<16xf32>,
      tpu.vector_store %arg10[%swap3A_107, %swap3A_108, %swap3A_109], %broadcast_in_dim3A_8 {strides = array<i32>} : memref<2x80x128xf32, #tpu.memory_space<vmem>>, vector<16xf32>,
      %scan3A_111 = arith.constant 0 : i32
      scf.yield %scan3A_111 : i32
    }
    %scan3A_14 = arith.constant 80 : i32
    %mul3A_15 = arith.constant 624 : i32
    %mul3A_16 = arith.muli %arg1, %mul3A_15 : i32
    %add3A_17 = arith.constant 0 : i32
    %add3A_18 = arith.addi %mul3A_16, %add3A_17 : i32
    %run_scoped3A = arith.constant 0 : i32
    "tpu.region"() ({
      %run_scoped3A_70 = tpu.sem_alloc : memref<!tpu.dma_semaphore, #tpu.memory_space<semaphore_mem>>
      %dma_start3A_71 = arith.constant 0 : i32
      %dma_start3A_72 = arith.constant 0 : i32
      %dma_start3A_73 = tpu.memref_slice %arg10[%run_scoped3A, %dma_start3A_71, %dma_start3A_72] : memref<2x80x128xf32, #tpu.memory_space<vmem>> -> memref<1x80x128xf32, #tpu.memory_space<vmem>>
      %dma_start3A_74 = tpu.memref_squeeze %dma_start3A_73 : memref<1x80x128xf32, #tpu.memory_space<vmem>> -> memref<80x128xf32, #tpu.memory_space<vmem>>
      %dma_start3A_75 = arith.constant 0 : i32
      %dma_start3A_76 = tpu.memref_slice %arg13[%add3A_18, %dma_start3A_75] : memref<10000x128xf32, #tpu.memory_space<vmem_shared>> -> memref<80x128xf32, #tpu.memory_space<vmem_shared>>
      %dma_start3A_77 = arith.constant 0 : i32
      %dma_start3A_78 = tpu.memref_slice %arg13[%add3A_18, %dma_start3A_77] : memref<10000x128xf32, #tpu.memory_space<vmem_shared>> -> memref<80x128xf32, #tpu.memory_space<vmem_shared>>
      %dma_start3A_79 = arith.constant 0 : i32
      %dma_start3A_80 = arith.constant 0 : i32
      %dma_start3A_81 = tpu.memref_slice %arg10[%run_scoped3A, %dma_start3A_79, %dma_start3A_80] : memref<2x80x128xf32, #tpu.memory_space<vmem>> -> memref<1x80x128xf32, #tpu.memory_space<vmem>>
      %dma_start3A_82 = tpu.memref_squeeze %dma_start3A_81 : memref<1x80x128xf32, #tpu.memory_space<vmem>> -> memref<80x128xf32, #tpu.memory_space<vmem>>
      tpu.enqueue_dma source(%dma_start3A_82 : memref<80x128xf32, #tpu.memory_space<vmem>>) target(%dma_start3A_78 : memref<80x128xf32, #tpu.memory_space<vmem_shared>>) target_semaphore(%run_scoped3A_70 : memref<!tpu.dma_semaphore, #tpu.memory_space<semaphore_mem>>)
      %dma_wait3A_83 = arith.constant 0 : i32
      %dma_wait3A_84 = arith.constant 0 : i32
      %dma_wait3A_85 = tpu.memref_slice %arg10[%run_scoped3A, %dma_wait3A_83, %dma_wait3A_84] : memref<2x80x128xf32, #tpu.memory_space<vmem>> -> memref<1x80x128xf32, #tpu.memory_space<vmem>>
      %dma_wait3A_86 = tpu.memref_squeeze %dma_wait3A_85 : memref<1x80x128xf32, #tpu.memory_space<vmem>> -> memref<80x128xf32, #tpu.memory_space<vmem>>
      %dma_wait3A_87 = arith.constant 0 : i32
      %dma_wait3A_88 = tpu.memref_slice %arg13[%add3A_18, %dma_wait3A_87] : memref<10000x128xf32, #tpu.memory_space<vmem_shared>> -> memref<80x128xf32, #tpu.memory_space<vmem_shared>>
      %dma_wait3A_89 = arith.constant 0 : i32
      %dma_wait3A_90 = tpu.memref_slice %arg13[%add3A_18, %dma_wait3A_89] : memref<10000x128xf32, #tpu.memory_space<vmem_shared>> -> memref<80x128xf32, #tpu.memory_space<vmem_shared>>
      %dma_wait3A_91 = arith.constant 0 : i32
      %dma_wait3A_92 = arith.constant 0 : i32
      %dma_wait3A_93 = tpu.memref_slice %arg10[%run_scoped3A, %dma_wait3A_91, %dma_wait3A_92] : memref<2x80x128xf32, #tpu.memory_space<vmem>> -> memref<1x80x128xf32, #tpu.memory_space<vmem>>
      %dma_wait3A_94 = tpu.memref_squeeze %dma_wait3A_93 : memref<1x80x128xf32, #tpu.memory_space<vmem>> -> memref<80x128xf32, #tpu.memory_space<vmem>>
      tpu.wait_dma2 semaphore(%run_scoped3A_70 : memref<!tpu.dma_semaphore, #tpu.memory_space<semaphore_mem>>) src(%dma_wait3A_94 : memref<80x128xf32, #tpu.memory_space<vmem>>) dst(%dma_wait3A_90 : memref<80x128xf32, #tpu.memory_space<vmem_shared>>)
      tpu.yield
    }) : () -> ()
    %add3A_19 = arith.constant 80 : i32
    %add3A_20 = arith.addi %mul3A_16, %add3A_19 : i32
    %run_scoped3A_21 = arith.constant 0 : i32
    "tpu.region"() ({
      %run_scoped3A_70 = tpu.sem_alloc : memref<!tpu.dma_semaphore, #tpu.memory_space<semaphore_mem>>
      %dma_start3A_71 = arith.constant 0 : i32
      %dma_start3A_72 = arith.constant 0 : i32
      %dma_start3A_73 = tpu.memref_slice %arg10[%run_scoped3A_21, %dma_start3A_71, %dma_start3A_72] : memref<2x80x128xf32, #tpu.memory_space<vmem>> -> memref<1x80x128xf32, #tpu.memory_space<vmem>>
      %dma_start3A_74 = tpu.memref_squeeze %dma_start3A_73 : memref<1x80x128xf32, #tpu.memory_space<vmem>> -> memref<80x128xf32, #tpu.memory_space<vmem>>
      %dma_start3A_75 = arith.constant 0 : i32
      %dma_start3A_76 = tpu.memref_slice %arg13[%add3A_20, %dma_start3A_75] : memref<10000x128xf32, #tpu.memory_space<vmem_shared>> -> memref<80x128xf32, #tpu.memory_space<vmem_shared>>
      %dma_start3A_77 = arith.constant 0 : i32
      %dma_start3A_78 = tpu.memref_slice %arg13[%add3A_20, %dma_start3A_77] : memref<10000x128xf32, #tpu.memory_space<vmem_shared>> -> memref<80x128xf32, #tpu.memory_space<vmem_shared>>
      %dma_start3A_79 = arith.constant 0 : i32
      %dma_start3A_80 = arith.constant 0 : i32
      %dma_start3A_81 = tpu.memref_slice %arg10[%run_scoped3A_21, %dma_start3A_79, %dma_start3A_80] : memref<2x80x128xf32, #tpu.memory_space<vmem>> -> memref<1x80x128xf32, #tpu.memory_space<vmem>>
      %dma_start3A_82 = tpu.memref_squeeze %dma_start3A_81 : memref<1x80x128xf32, #tpu.memory_space<vmem>> -> memref<80x128xf32, #tpu.memory_space<vmem>>
      tpu.enqueue_dma source(%dma_start3A_82 : memref<80x128xf32, #tpu.memory_space<vmem>>) target(%dma_start3A_78 : memref<80x128xf32, #tpu.memory_space<vmem_shared>>) target_semaphore(%run_scoped3A_70 : memref<!tpu.dma_semaphore, #tpu.memory_space<semaphore_mem>>)
      %dma_wait3A_83 = arith.constant 0 : i32
      %dma_wait3A_84 = arith.constant 0 : i32
      %dma_wait3A_85 = tpu.memref_slice %arg10[%run_scoped3A_21, %dma_wait3A_83, %dma_wait3A_84] : memref<2x80x128xf32, #tpu.memory_space<vmem>> -> memref<1x80x128xf32, #tpu.memory_space<vmem>>
      %dma_wait3A_86 = tpu.memref_squeeze %dma_wait3A_85 : memref<1x80x128xf32, #tpu.memory_space<vmem>> -> memref<80x128xf32, #tpu.memory_space<vmem>>
      %dma_wait3A_87 = arith.constant 0 : i32
      %dma_wait3A_88 = tpu.memref_slice %arg13[%add3A_20, %dma_wait3A_87] : memref<10000x128xf32, #tpu.memory_space<vmem_shared>> -> memref<80x128xf32, #tpu.memory_space<vmem_shared>>
      %dma_wait3A_89 = arith.constant 0 : i32
      %dma_wait3A_90 = tpu.memref_slice %arg13[%add3A_20, %dma_wait3A_89] : memref<10000x128xf32, #tpu.memory_space<vmem_shared>> -> memref<80x128xf32, #tpu.memory_space<vmem_shared>>
      %dma_wait3A_91 = arith.constant 0 : i32
      %dma_wait3A_92 = arith.constant 0 : i32
      %dma_wait3A_93 = tpu.memref_slice %arg10[%run_scoped3A_21, %dma_wait3A_91, %dma_wait3A_92] : memref<2x80x128xf32, #tpu.memory_space<vmem>> -> memref<1x80x128xf32, #tpu.memory_space<vmem>>
      %dma_wait3A_94 = tpu.memref_squeeze %dma_wait3A_93 : memref<1x80x128xf32, #tpu.memory_space<vmem>> -> memref<80x128xf32, #tpu.memory_space<vmem>>
      tpu.wait_dma2 semaphore(%run_scoped3A_70 : memref<!tpu.dma_semaphore, #tpu.memory_space<semaphore_mem>>) src(%dma_wait3A_94 : memref<80x128xf32, #tpu.memory_space<vmem>>) dst(%dma_wait3A_90 : memref<80x128xf32, #tpu.memory_space<vmem_shared>>)
      tpu.yield
    }) : () -> ()
    %add3A_22 = arith.constant 160 : i32
    %add3A_23 = arith.addi %mul3A_16, %add3A_22 : i32
    %run_scoped3A_24 = arith.constant 0 : i32
    "tpu.region"() ({
      %run_scoped3A_70 = tpu.sem_alloc : memref<!tpu.dma_semaphore, #tpu.memory_space<semaphore_mem>>
      %dma_start3A_71 = arith.constant 0 : i32
      %dma_start3A_72 = arith.constant 0 : i32
      %dma_start3A_73 = tpu.memref_slice %arg10[%run_scoped3A_24, %dma_start3A_71, %dma_start3A_72] : memref<2x80x128xf32, #tpu.memory_space<vmem>> -> memref<1x80x128xf32, #tpu.memory_space<vmem>>
      %dma_start3A_74 = tpu.memref_squeeze %dma_start3A_73 : memref<1x80x128xf32, #tpu.memory_space<vmem>> -> memref<80x128xf32, #tpu.memory_space<vmem>>
      %dma_start3A_75 = arith.constant 0 : i32
      %dma_start3A_76 = tpu.memref_slice %arg13[%add3A_23, %dma_start3A_75] : memref<10000x128xf32, #tpu.memory_space<vmem_shared>> -> memref<80x128xf32, #tpu.memory_space<vmem_shared>>
      %dma_start3A_77 = arith.constant 0 : i32
      %dma_start3A_78 = tpu.memref_slice %arg13[%add3A_23, %dma_start3A_77] : memref<10000x128xf32, #tpu.memory_space<vmem_shared>> -> memref<80x128xf32, #tpu.memory_space<vmem_shared>>
      %dma_start3A_79 = arith.constant 0 : i32
      %dma_start3A_80 = arith.constant 0 : i32
      %dma_start3A_81 = tpu.memref_slice %arg10[%run_scoped3A_24, %dma_start3A_79, %dma_start3A_80] : memref<2x80x128xf32, #tpu.memory_space<vmem>> -> memref<1x80x128xf32, #tpu.memory_space<vmem>>
      %dma_start3A_82 = tpu.memref_squeeze %dma_start3A_81 : memref<1x80x128xf32, #tpu.memory_space<vmem>> -> memref<80x128xf32, #tpu.memory_space<vmem>>
      tpu.enqueue_dma source(%dma_start3A_82 : memref<80x128xf32, #tpu.memory_space<vmem>>) target(%dma_start3A_78 : memref<80x128xf32, #tpu.memory_space<vmem_shared>>) target_semaphore(%run_scoped3A_70 : memref<!tpu.dma_semaphore, #tpu.memory_space<semaphore_mem>>)
      %dma_wait3A_83 = arith.constant 0 : i32
      %dma_wait3A_84 = arith.constant 0 : i32
      %dma_wait3A_85 = tpu.memref_slice %arg10[%run_scoped3A_24, %dma_wait3A_83, %dma_wait3A_84] : memref<2x80x128xf32, #tpu.memory_space<vmem>> -> memref<1x80x128xf32, #tpu.memory_space<vmem>>
      %dma_wait3A_86 = tpu.memref_squeeze %dma_wait3A_85 : memref<1x80x128xf32, #tpu.memory_space<vmem>> -> memref<80x128xf32, #tpu.memory_space<vmem>>
      %dma_wait3A_87 = arith.constant 0 : i32
      %dma_wait3A_88 = tpu.memref_slice %arg13[%add3A_23, %dma_wait3A_87] : memref<10000x128xf32, #tpu.memory_space<vmem_shared>> -> memref<80x128xf32, #tpu.memory_space<vmem_shared>>
      %dma_wait3A_89 = arith.constant 0 : i32
      %dma_wait3A_90 = tpu.memref_slice %arg13[%add3A_23, %dma_wait3A_89] : memref<10000x128xf32, #tpu.memory_space<vmem_shared>> -> memref<80x128xf32, #tpu.memory_space<vmem_shared>>
      %dma_wait3A_91 = arith.constant 0 : i32
      %dma_wait3A_92 = arith.constant 0 : i32
      %dma_wait3A_93 = tpu.memref_slice %arg10[%run_scoped3A_24, %dma_wait3A_91, %dma_wait3A_92] : memref<2x80x128xf32, #tpu.memory_space<vmem>> -> memref<1x80x128xf32, #tpu.memory_space<vmem>>
      %dma_wait3A_94 = tpu.memref_squeeze %dma_wait3A_93 : memref<1x80x128xf32, #tpu.memory_space<vmem>> -> memref<80x128xf32, #tpu.memory_space<vmem>>
      tpu.wait_dma2 semaphore(%run_scoped3A_70 : memref<!tpu.dma_semaphore, #tpu.memory_space<semaphore_mem>>) src(%dma_wait3A_94 : memref<80x128xf32, #tpu.memory_space<vmem>>) dst(%dma_wait3A_90 : memref<80x128xf32, #tpu.memory_space<vmem_shared>>)
      tpu.yield
    }) : () -> ()
    %add3A_25 = arith.constant 240 : i32
    %add3A_26 = arith.addi %mul3A_16, %add3A_25 : i32
    %run_scoped3A_27 = arith.constant 0 : i32
    "tpu.region"() ({
      %run_scoped3A_70 = tpu.sem_alloc : memref<!tpu.dma_semaphore, #tpu.memory_space<semaphore_mem>>
      %dma_start3A_71 = arith.constant 0 : i32
      %dma_start3A_72 = arith.constant 0 : i32
      %dma_start3A_73 = tpu.memref_slice %arg10[%run_scoped3A_27, %dma_start3A_71, %dma_start3A_72] : memref<2x80x128xf32, #tpu.memory_space<vmem>> -> memref<1x80x128xf32, #tpu.memory_space<vmem>>
      %dma_start3A_74 = tpu.memref_squeeze %dma_start3A_73 : memref<1x80x128xf32, #tpu.memory_space<vmem>> -> memref<80x128xf32, #tpu.memory_space<vmem>>
      %dma_start3A_75 = arith.constant 0 : i32
      %dma_start3A_76 = tpu.memref_slice %arg13[%add3A_26, %dma_start3A_75] : memref<10000x128xf32, #tpu.memory_space<vmem_shared>> -> memref<80x128xf32, #tpu.memory_space<vmem_shared>>
      %dma_start3A_77 = arith.constant 0 : i32
      %dma_start3A_78 = tpu.memref_slice %arg13[%add3A_26, %dma_start3A_77] : memref<10000x128xf32, #tpu.memory_space<vmem_shared>> -> memref<80x128xf32, #tpu.memory_space<vmem_shared>>
      %dma_start3A_79 = arith.constant 0 : i32
      %dma_start3A_80 = arith.constant 0 : i32
      %dma_start3A_81 = tpu.memref_slice %arg10[%run_scoped3A_27, %dma_start3A_79, %dma_start3A_80] : memref<2x80x128xf32, #tpu.memory_space<vmem>> -> memref<1x80x128xf32, #tpu.memory_space<vmem>>
      %dma_start3A_82 = tpu.memref_squeeze %dma_start3A_81 : memref<1x80x128xf32, #tpu.memory_space<vmem>> -> memref<80x128xf32, #tpu.memory_space<vmem>>
      tpu.enqueue_dma source(%dma_start3A_82 : memref<80x128xf32, #tpu.memory_space<vmem>>) target(%dma_start3A_78 : memref<80x128xf32, #tpu.memory_space<vmem_shared>>) target_semaphore(%run_scoped3A_70 : memref<!tpu.dma_semaphore, #tpu.memory_space<semaphore_mem>>)
      %dma_wait3A_83 = arith.constant 0 : i32
      %dma_wait3A_84 = arith.constant 0 : i32
      %dma_wait3A_85 = tpu.memref_slice %arg10[%run_scoped3A_27, %dma_wait3A_83, %dma_wait3A_84] : memref<2x80x128xf32, #tpu.memory_space<vmem>> -> memref<1x80x128xf32, #tpu.memory_space<vmem>>
      %dma_wait3A_86 = tpu.memref_squeeze %dma_wait3A_85 : memref<1x80x128xf32, #tpu.memory_space<vmem>> -> memref<80x128xf32, #tpu.memory_space<vmem>>
      %dma_wait3A_87 = arith.constant 0 : i32
      %dma_wait3A_88 = tpu.memref_slice %arg13[%add3A_26, %dma_wait3A_87] : memref<10000x128xf32, #tpu.memory_space<vmem_shared>> -> memref<80x128xf32, #tpu.memory_space<vmem_shared>>
      %dma_wait3A_89 = arith.constant 0 : i32
      %dma_wait3A_90 = tpu.memref_slice %arg13[%add3A_26, %dma_wait3A_89] : memref<10000x128xf32, #tpu.memory_space<vmem_shared>> -> memref<80x128xf32, #tpu.memory_space<vmem_shared>>
      %dma_wait3A_91 = arith.constant 0 : i32
      %dma_wait3A_92 = arith.constant 0 : i32
      %dma_wait3A_93 = tpu.memref_slice %arg10[%run_scoped3A_27, %dma_wait3A_91, %dma_wait3A_92] : memref<2x80x128xf32, #tpu.memory_space<vmem>> -> memref<1x80x128xf32, #tpu.memory_space<vmem>>
      %dma_wait3A_94 = tpu.memref_squeeze %dma_wait3A_93 : memref<1x80x128xf32, #tpu.memory_space<vmem>> -> memref<80x128xf32, #tpu.memory_space<vmem>>
      tpu.wait_dma2 semaphore(%run_scoped3A_70 : memref<!tpu.dma_semaphore, #tpu.memory_space<semaphore_mem>>) src(%dma_wait3A_94 : memref<80x128xf32, #tpu.memory_space<vmem>>) dst(%dma_wait3A_90 : memref<80x128xf32, #tpu.memory_space<vmem_shared>>)
      tpu.yield
    }) : () -> ()
    %add3A_28 = arith.constant 320 : i32
    %add3A_29 = arith.addi %mul3A_16, %add3A_28 : i32
    %run_scoped3A_30 = arith.constant 0 : i32
    "tpu.region"() ({
      %run_scoped3A_70 = tpu.sem_alloc : memref<!tpu.dma_semaphore, #tpu.memory_space<semaphore_mem>>
      %dma_start3A_71 = arith.constant 0 : i32
      %dma_start3A_72 = arith.constant 0 : i32
      %dma_start3A_73 = tpu.memref_slice %arg10[%run_scoped3A_30, %dma_start3A_71, %dma_start3A_72] : memref<2x80x128xf32, #tpu.memory_space<vmem>> -> memref<1x80x128xf32, #tpu.memory_space<vmem>>
      %dma_start3A_74 = tpu.memref_squeeze %dma_start3A_73 : memref<1x80x128xf32, #tpu.memory_space<vmem>> -> memref<80x128xf32, #tpu.memory_space<vmem>>
      %dma_start3A_75 = arith.constant 0 : i32
      %dma_start3A_76 = tpu.memref_slice %arg13[%add3A_29, %dma_start3A_75] : memref<10000x128xf32, #tpu.memory_space<vmem_shared>> -> memref<80x128xf32, #tpu.memory_space<vmem_shared>>
      %dma_start3A_77 = arith.constant 0 : i32
      %dma_start3A_78 = tpu.memref_slice %arg13[%add3A_29, %dma_start3A_77] : memref<10000x128xf32, #tpu.memory_space<vmem_shared>> -> memref<80x128xf32, #tpu.memory_space<vmem_shared>>
      %dma_start3A_79 = arith.constant 0 : i32
      %dma_start3A_80 = arith.constant 0 : i32
      %dma_start3A_81 = tpu.memref_slice %arg10[%run_scoped3A_30, %dma_start3A_79, %dma_start3A_80] : memref<2x80x128xf32, #tpu.memory_space<vmem>> -> memref<1x80x128xf32, #tpu.memory_space<vmem>>
      %dma_start3A_82 = tpu.memref_squeeze %dma_start3A_81 : memref<1x80x128xf32, #tpu.memory_space<vmem>> -> memref<80x128xf32, #tpu.memory_space<vmem>>
      tpu.enqueue_dma source(%dma_start3A_82 : memref<80x128xf32, #tpu.memory_space<vmem>>) target(%dma_start3A_78 : memref<80x128xf32, #tpu.memory_space<vmem_shared>>) target_semaphore(%run_scoped3A_70 : memref<!tpu.dma_semaphore, #tpu.memory_space<semaphore_mem>>)
      %dma_wait3A_83 = arith.constant 0 : i32
      %dma_wait3A_84 = arith.constant 0 : i32
      %dma_wait3A_85 = tpu.memref_slice %arg10[%run_scoped3A_30, %dma_wait3A_83, %dma_wait3A_84] : memref<2x80x128xf32, #tpu.memory_space<vmem>> -> memref<1x80x128xf32, #tpu.memory_space<vmem>>
      %dma_wait3A_86 = tpu.memref_squeeze %dma_wait3A_85 : memref<1x80x128xf32, #tpu.memory_space<vmem>> -> memref<80x128xf32, #tpu.memory_space<vmem>>
      %dma_wait3A_87 = arith.constant 0 : i32
      %dma_wait3A_88 = tpu.memref_slice %arg13[%add3A_29, %dma_wait3A_87] : memref<10000x128xf32, #tpu.memory_space<vmem_shared>> -> memref<80x128xf32, #tpu.memory_space<vmem_shared>>
      %dma_wait3A_89 = arith.constant 0 : i32
      %dma_wait3A_90 = tpu.memref_slice %arg13[%add3A_29, %dma_wait3A_89] : memref<10000x128xf32, #tpu.memory_space<vmem_shared>> -> memref<80x128xf32, #tpu.memory_space<vmem_shared>>
      %dma_wait3A_91 = arith.constant 0 : i32
      %dma_wait3A_92 = arith.constant 0 : i32
      %dma_wait3A_93 = tpu.memref_slice %arg10[%run_scoped3A_30, %dma_wait3A_91, %dma_wait3A_92] : memref<2x80x128xf32, #tpu.memory_space<vmem>> -> memref<1x80x128xf32, #tpu.memory_space<vmem>>
      %dma_wait3A_94 = tpu.memref_squeeze %dma_wait3A_93 : memref<1x80x128xf32, #tpu.memory_space<vmem>> -> memref<80x128xf32, #tpu.memory_space<vmem>>
      tpu.wait_dma2 semaphore(%run_scoped3A_70 : memref<!tpu.dma_semaphore, #tpu.memory_space<semaphore_mem>>) src(%dma_wait3A_94 : memref<80x128xf32, #tpu.memory_space<vmem>>) dst(%dma_wait3A_90 : memref<80x128xf32, #tpu.memory_space<vmem_shared>>)
      tpu.yield
    }) : () -> ()
    %add3A_31 = arith.constant 400 : i32
    %add3A_32 = arith.addi %mul3A_16, %add3A_31 : i32
    %run_scoped3A_33 = arith.constant 0 : i32
    "tpu.region"() ({
      %run_scoped3A_70 = tpu.sem_alloc : memref<!tpu.dma_semaphore, #tpu.memory_space<semaphore_mem>>
      %dma_start3A_71 = arith.constant 0 : i32
      %dma_start3A_72 = arith.constant 0 : i32
      %dma_start3A_73 = tpu.memref_slice %arg10[%run_scoped3A_33, %dma_start3A_71, %dma_start3A_72] : memref<2x80x128xf32, #tpu.memory_space<vmem>> -> memref<1x80x128xf32, #tpu.memory_space<vmem>>
      %dma_start3A_74 = tpu.memref_squeeze %dma_start3A_73 : memref<1x80x128xf32, #tpu.memory_space<vmem>> -> memref<80x128xf32, #tpu.memory_space<vmem>>
      %dma_start3A_75 = arith.constant 0 : i32
      %dma_start3A_76 = tpu.memref_slice %arg13[%add3A_32, %dma_start3A_75] : memref<10000x128xf32, #tpu.memory_space<vmem_shared>> -> memref<80x128xf32, #tpu.memory_space<vmem_shared>>
      %dma_start3A_77 = arith.constant 0 : i32
      %dma_start3A_78 = tpu.memref_slice %arg13[%add3A_32, %dma_start3A_77] : memref<10000x128xf32, #tpu.memory_space<vmem_shared>> -> memref<80x128xf32, #tpu.memory_space<vmem_shared>>
      %dma_start3A_79 = arith.constant 0 : i32
      %dma_start3A_80 = arith.constant 0 : i32
      %dma_start3A_81 = tpu.memref_slice %arg10[%run_scoped3A_33, %dma_start3A_79, %dma_start3A_80] : memref<2x80x128xf32, #tpu.memory_space<vmem>> -> memref<1x80x128xf32, #tpu.memory_space<vmem>>
      %dma_start3A_82 = tpu.memref_squeeze %dma_start3A_81 : memref<1x80x128xf32, #tpu.memory_space<vmem>> -> memref<80x128xf32, #tpu.memory_space<vmem>>
      tpu.enqueue_dma source(%dma_start3A_82 : memref<80x128xf32, #tpu.memory_space<vmem>>) target(%dma_start3A_78 : memref<80x128xf32, #tpu.memory_space<vmem_shared>>) target_semaphore(%run_scoped3A_70 : memref<!tpu.dma_semaphore, #tpu.memory_space<semaphore_mem>>)
      %dma_wait3A_83 = arith.constant 0 : i32
      %dma_wait3A_84 = arith.constant 0 : i32
      %dma_wait3A_85 = tpu.memref_slice %arg10[%run_scoped3A_33, %dma_wait3A_83, %dma_wait3A_84] : memref<2x80x128xf32, #tpu.memory_space<vmem>> -> memref<1x80x128xf32, #tpu.memory_space<vmem>>
      %dma_wait3A_86 = tpu.memref_squeeze %dma_wait3A_85 : memref<1x80x128xf32, #tpu.memory_space<vmem>> -> memref<80x128xf32, #tpu.memory_space<vmem>>
      %dma_wait3A_87 = arith.constant 0 : i32
      %dma_wait3A_88 = tpu.memref_slice %arg13[%add3A_32, %dma_wait3A_87] : memref<10000x128xf32, #tpu.memory_space<vmem_shared>> -> memref<80x128xf32, #tpu.memory_space<vmem_shared>>
      %dma_wait3A_89 = arith.constant 0 : i32
      %dma_wait3A_90 = tpu.memref_slice %arg13[%add3A_32, %dma_wait3A_89] : memref<10000x128xf32, #tpu.memory_space<vmem_shared>> -> memref<80x128xf32, #tpu.memory_space<vmem_shared>>
      %dma_wait3A_91 = arith.constant 0 : i32
      %dma_wait3A_92 = arith.constant 0 : i32
      %dma_wait3A_93 = tpu.memref_slice %arg10[%run_scoped3A_33, %dma_wait3A_91, %dma_wait3A_92] : memref<2x80x128xf32, #tpu.memory_space<vmem>> -> memref<1x80x128xf32, #tpu.memory_space<vmem>>
      %dma_wait3A_94 = tpu.memref_squeeze %dma_wait3A_93 : memref<1x80x128xf32, #tpu.memory_space<vmem>> -> memref<80x128xf32, #tpu.memory_space<vmem>>
      tpu.wait_dma2 semaphore(%run_scoped3A_70 : memref<!tpu.dma_semaphore, #tpu.memory_space<semaphore_mem>>) src(%dma_wait3A_94 : memref<80x128xf32, #tpu.memory_space<vmem>>) dst(%dma_wait3A_90 : memref<80x128xf32, #tpu.memory_space<vmem_shared>>)
      tpu.yield
    }) : () -> ()
    %add3A_34 = arith.constant 480 : i32
    %add3A_35 = arith.addi %mul3A_16, %add3A_34 : i32
    %run_scoped3A_36 = arith.constant 0 : i32
    "tpu.region"() ({
      %run_scoped3A_70 = tpu.sem_alloc : memref<!tpu.dma_semaphore, #tpu.memory_space<semaphore_mem>>
      %dma_start3A_71 = arith.constant 0 : i32
      %dma_start3A_72 = arith.constant 0 : i32
      %dma_start3A_73 = tpu.memref_slice %arg10[%run_scoped3A_36, %dma_start3A_71, %dma_start3A_72] : memref<2x80x128xf32, #tpu.memory_space<vmem>> -> memref<1x80x128xf32, #tpu.memory_space<vmem>>
      %dma_start3A_74 = tpu.memref_squeeze %dma_start3A_73 : memref<1x80x128xf32, #tpu.memory_space<vmem>> -> memref<80x128xf32, #tpu.memory_space<vmem>>
      %dma_start3A_75 = arith.constant 0 : i32
      %dma_start3A_76 = tpu.memref_slice %arg13[%add3A_35, %dma_start3A_75] : memref<10000x128xf32, #tpu.memory_space<vmem_shared>> -> memref<80x128xf32, #tpu.memory_space<vmem_shared>>
      %dma_start3A_77 = arith.constant 0 : i32
      %dma_start3A_78 = tpu.memref_slice %arg13[%add3A_35, %dma_start3A_77] : memref<10000x128xf32, #tpu.memory_space<vmem_shared>> -> memref<80x128xf32, #tpu.memory_space<vmem_shared>>
      %dma_start3A_79 = arith.constant 0 : i32
      %dma_start3A_80 = arith.constant 0 : i32
      %dma_start3A_81 = tpu.memref_slice %arg10[%run_scoped3A_36, %dma_start3A_79, %dma_start3A_80] : memref<2x80x128xf32, #tpu.memory_space<vmem>> -> memref<1x80x128xf32, #tpu.memory_space<vmem>>
      %dma_start3A_82 = tpu.memref_squeeze %dma_start3A_81 : memref<1x80x128xf32, #tpu.memory_space<vmem>> -> memref<80x128xf32, #tpu.memory_space<vmem>>
      tpu.enqueue_dma source(%dma_start3A_82 : memref<80x128xf32, #tpu.memory_space<vmem>>) target(%dma_start3A_78 : memref<80x128xf32, #tpu.memory_space<vmem_shared>>) target_semaphore(%run_scoped3A_70 : memref<!tpu.dma_semaphore, #tpu.memory_space<semaphore_mem>>)
      %dma_wait3A_83 = arith.constant 0 : i32
      %dma_wait3A_84 = arith.constant 0 : i32
      %dma_wait3A_85 = tpu.memref_slice %arg10[%run_scoped3A_36, %dma_wait3A_83, %dma_wait3A_84] : memref<2x80x128xf32, #tpu.memory_space<vmem>> -> memref<1x80x128xf32, #tpu.memory_space<vmem>>
      %dma_wait3A_86 = tpu.memref_squeeze %dma_wait3A_85 : memref<1x80x128xf32, #tpu.memory_space<vmem>> -> memref<80x128xf32, #tpu.memory_space<vmem>>
      %dma_wait3A_87 = arith.constant 0 : i32
      %dma_wait3A_88 = tpu.memref_slice %arg13[%add3A_35, %dma_wait3A_87] : memref<10000x128xf32, #tpu.memory_space<vmem_shared>> -> memref<80x128xf32, #tpu.memory_space<vmem_shared>>
      %dma_wait3A_89 = arith.constant 0 : i32
      %dma_wait3A_90 = tpu.memref_slice %arg13[%add3A_35, %dma_wait3A_89] : memref<10000x128xf32, #tpu.memory_space<vmem_shared>> -> memref<80x128xf32, #tpu.memory_space<vmem_shared>>
      %dma_wait3A_91 = arith.constant 0 : i32
      %dma_wait3A_92 = arith.constant 0 : i32
      %dma_wait3A_93 = tpu.memref_slice %arg10[%run_scoped3A_36, %dma_wait3A_91, %dma_wait3A_92] : memref<2x80x128xf32, #tpu.memory_space<vmem>> -> memref<1x80x128xf32, #tpu.memory_space<vmem>>
      %dma_wait3A_94 = tpu.memref_squeeze %dma_wait3A_93 : memref<1x80x128xf32, #tpu.memory_space<vmem>> -> memref<80x128xf32, #tpu.memory_space<vmem>>
      tpu.wait_dma2 semaphore(%run_scoped3A_70 : memref<!tpu.dma_semaphore, #tpu.memory_space<semaphore_mem>>) src(%dma_wait3A_94 : memref<80x128xf32, #tpu.memory_space<vmem>>) dst(%dma_wait3A_90 : memref<80x128xf32, #tpu.memory_space<vmem_shared>>)
      tpu.yield
    }) : () -> ()
    %add3A_37 = arith.constant 560 : i32
    %add3A_38 = arith.addi %mul3A_16, %add3A_37 : i32
    %run_scoped3A_39 = arith.constant 0 : i32
    "tpu.region"() ({
      %run_scoped3A_70 = tpu.sem_alloc : memref<!tpu.dma_semaphore, #tpu.memory_space<semaphore_mem>>
      %dma_start3A_71 = arith.constant 0 : i32
      %dma_start3A_72 = arith.constant 0 : i32
      %dma_start3A_73 = tpu.memref_slice %arg10[%run_scoped3A_39, %dma_start3A_71, %dma_start3A_72] : memref<2x80x128xf32, #tpu.memory_space<vmem>> -> memref<1x64x128xf32, #tpu.memory_space<vmem>>
      %dma_start3A_74 = tpu.memref_squeeze %dma_start3A_73 : memref<1x64x128xf32, #tpu.memory_space<vmem>> -> memref<64x128xf32, #tpu.memory_space<vmem>>
      %dma_start3A_75 = arith.constant 0 : i32
      %dma_start3A_76 = tpu.memref_slice %arg13[%add3A_38, %dma_start3A_75] : memref<10000x128xf32, #tpu.memory_space<vmem_shared>> -> memref<64x128xf32, #tpu.memory_space<vmem_shared>>
      %dma_start3A_77 = arith.constant 0 : i32
      %dma_start3A_78 = tpu.memref_slice %arg13[%add3A_38, %dma_start3A_77] : memref<10000x128xf32, #tpu.memory_space<vmem_shared>> -> memref<64x128xf32, #tpu.memory_space<vmem_shared>>
      %dma_start3A_79 = arith.constant 0 : i32
      %dma_start3A_80 = arith.constant 0 : i32
      %dma_start3A_81 = tpu.memref_slice %arg10[%run_scoped3A_39, %dma_start3A_79, %dma_start3A_80] : memref<2x80x128xf32, #tpu.memory_space<vmem>> -> memref<1x64x128xf32, #tpu.memory_space<vmem>>
      %dma_start3A_82 = tpu.memref_squeeze %dma_start3A_81 : memref<1x64x128xf32, #tpu.memory_space<vmem>> -> memref<64x128xf32, #tpu.memory_space<vmem>>
      tpu.enqueue_dma source(%dma_start3A_82 : memref<64x128xf32, #tpu.memory_space<vmem>>) target(%dma_start3A_78 : memref<64x128xf32, #tpu.memory_space<vmem_shared>>) target_semaphore(%run_scoped3A_70 : memref<!tpu.dma_semaphore, #tpu.memory_space<semaphore_mem>>)
      %dma_wait3A_83 = arith.constant 0 : i32
      %dma_wait3A_84 = arith.constant 0 : i32
      %dma_wait3A_85 = tpu.memref_slice %arg10[%run_scoped3A_39, %dma_wait3A_83, %dma_wait3A_84] : memref<2x80x128xf32, #tpu.memory_space<vmem>> -> memref<1x64x128xf32, #tpu.memory_space<vmem>>
      %dma_wait3A_86 = tpu.memref_squeeze %dma_wait3A_85 : memref<1x64x128xf32, #tpu.memory_space<vmem>> -> memref<64x128xf32, #tpu.memory_space<vmem>>
      %dma_wait3A_87 = arith.constant 0 : i32
      %dma_wait3A_88 = tpu.memref_slice %arg13[%add3A_38, %dma_wait3A_87] : memref<10000x128xf32, #tpu.memory_space<vmem_shared>> -> memref<64x128xf32, #tpu.memory_space<vmem_shared>>
      %dma_wait3A_89 = arith.constant 0 : i32
      %dma_wait3A_90 = tpu.memref_slice %arg13[%add3A_38, %dma_wait3A_89] : memref<10000x128xf32, #tpu.memory_space<vmem_shared>> -> memref<64x128xf32, #tpu.memory_space<vmem_shared>>
      %dma_wait3A_91 = arith.constant 0 : i32
      %dma_wait3A_92 = arith.constant 0 : i32
      %dma_wait3A_93 = tpu.memref_slice %arg10[%run_scoped3A_39, %dma_wait3A_91, %dma_wait3A_92] : memref<2x80x128xf32, #tpu.memory_space<vmem>> -> memref<1x64x128xf32, #tpu.memory_space<vmem>>
      %dma_wait3A_94 = tpu.memref_squeeze %dma_wait3A_93 : memref<1x64x128xf32, #tpu.memory_space<vmem>> -> memref<64x128xf32, #tpu.memory_space<vmem>>
      tpu.wait_dma2 semaphore(%run_scoped3A_70 : memref<!tpu.dma_semaphore, #tpu.memory_space<semaphore_mem>>) src(%dma_wait3A_94 : memref<64x128xf32, #tpu.memory_space<vmem>>) dst(%dma_wait3A_90 : memref<64x128xf32, #tpu.memory_space<vmem_shared>>)
      tpu.yield
    }) : () -> ()
    %eq3A = arith.constant 0 : i32
    %eq3A_40 = arith.cmpi eq, %arg1, %eq3A : i32
    %convert_element_type3A = arith.extui %eq3A_40 : i1 to i32
    %cond3A = arith.constant 0 : i32
    %cond3A_41 = arith.cmpi ne, %convert_element_type3A, %cond3A : i32
    scf.if %cond3A_41 {
      %run_scoped3A_70 = arith.constant 0 : i32
      "tpu.region"() ({
        %run_scoped3A_71 = tpu.sem_alloc : memref<!tpu.dma_semaphore, #tpu.memory_space<semaphore_mem>>
        %dma_start3A_72 = arith.constant 0 : i32
        %dma_start3A_73 = arith.constant 0 : i32
        %dma_start3A_74 = tpu.memref_slice %arg10[%run_scoped3A_70, %dma_start3A_72, %dma_start3A_73] : memref<2x80x128xf32, #tpu.memory_space<vmem>> -> memref<1x16x128xf32, #tpu.memory_space<vmem>>
        %dma_start3A_75 = tpu.memref_squeeze %dma_start3A_74 : memref<1x16x128xf32, #tpu.memory_space<vmem>> -> memref<16x128xf32, #tpu.memory_space<vmem>>
        %dma_start3A_76 = arith.constant 9984 : i32
        %dma_start3A_77 = arith.constant 0 : i32
        %dma_start3A_78 = tpu.memref_slice %arg13[%dma_start3A_76, %dma_start3A_77] : memref<10000x128xf32, #tpu.memory_space<vmem_shared>> -> memref<16x128xf32, #tpu.memory_space<vmem_shared>>
        %dma_start3A_79 = arith.constant 9984 : i32
        %dma_start3A_80 = arith.constant 0 : i32
        %dma_start3A_81 = tpu.memref_slice %arg13[%dma_start3A_79, %dma_start3A_80] : memref<10000x128xf32, #tpu.memory_space<vmem_shared>> -> memref<16x128xf32, #tpu.memory_space<vmem_shared>>
        %dma_start3A_82 = arith.constant 0 : i32
        %dma_start3A_83 = arith.constant 0 : i32
        %dma_start3A_84 = tpu.memref_slice %arg10[%run_scoped3A_70, %dma_start3A_82, %dma_start3A_83] : memref<2x80x128xf32, #tpu.memory_space<vmem>> -> memref<1x16x128xf32, #tpu.memory_space<vmem>>
        %dma_start3A_85 = tpu.memref_squeeze %dma_start3A_84 : memref<1x16x128xf32, #tpu.memory_space<vmem>> -> memref<16x128xf32, #tpu.memory_space<vmem>>
        tpu.enqueue_dma source(%dma_start3A_85 : memref<16x128xf32, #tpu.memory_space<vmem>>) target(%dma_start3A_81 : memref<16x128xf32, #tpu.memory_space<vmem_shared>>) target_semaphore(%run_scoped3A_71 : memref<!tpu.dma_semaphore, #tpu.memory_space<semaphore_mem>>)
        %dma_wait3A_86 = arith.constant 0 : i32
        %dma_wait3A_87 = arith.constant 0 : i32
        %dma_wait3A_88 = tpu.memref_slice %arg10[%run_scoped3A_70, %dma_wait3A_86, %dma_wait3A_87] : memref<2x80x128xf32, #tpu.memory_space<vmem>> -> memref<1x16x128xf32, #tpu.memory_space<vmem>>
        %dma_wait3A_89 = tpu.memref_squeeze %dma_wait3A_88 : memref<1x16x128xf32, #tpu.memory_space<vmem>> -> memref<16x128xf32, #tpu.memory_space<vmem>>
        %dma_wait3A_90 = arith.constant 9984 : i32
        %dma_wait3A_91 = arith.constant 0 : i32
        %dma_wait3A_92 = tpu.memref_slice %arg13[%dma_wait3A_90, %dma_wait3A_91] : memref<10000x128xf32, #tpu.memory_space<vmem_shared>> -> memref<16x128xf32, #tpu.memory_space<vmem_shared>>
        %dma_wait3A_93 = arith.constant 9984 : i32
        %dma_wait3A_94 = arith.constant 0 : i32
        %dma_wait3A_95 = tpu.memref_slice %arg13[%dma_wait3A_93, %dma_wait3A_94] : memref<10000x128xf32, #tpu.memory_space<vmem_shared>> -> memref<16x128xf32, #tpu.memory_space<vmem_shared>>
        %dma_wait3A_96 = arith.constant 0 : i32
        %dma_wait3A_97 = arith.constant 0 : i32
        %dma_wait3A_98 = tpu.memref_slice %arg10[%run_scoped3A_70, %dma_wait3A_96, %dma_wait3A_97] : memref<2x80x128xf32, #tpu.memory_space<vmem>> -> memref<1x16x128xf32, #tpu.memory_space<vmem>>
        %dma_wait3A_99 = tpu.memref_squeeze %dma_wait3A_98 : memref<1x16x128xf32, #tpu.memory_space<vmem>> -> memref<16x128xf32, #tpu.memory_space<vmem>>
        tpu.wait_dma2 semaphore(%run_scoped3A_71 : memref<!tpu.dma_semaphore, #tpu.memory_space<semaphore_mem>>) src(%dma_wait3A_99 : memref<16x128xf32, #tpu.memory_space<vmem>>) dst(%dma_wait3A_95 : memref<16x128xf32, #tpu.memory_space<vmem_shared>>)
        tpu.yield
      }) : () -> ()
    } else {
    }
    %dma_wait3A = tpu.memref_slice %arg3[%mul3A_2] : memref<320000xi32, #tpu.memory_space<hbm>> -> memref<10000xi32, #tpu.memory_space<hbm>>
    %dma_wait3A_42 = tpu.memref_slice %arg3[%mul3A_2] : memref<320000xi32, #tpu.memory_space<hbm>> -> memref<10000xi32, #tpu.memory_space<hbm>>
    tpu.wait_dma2 semaphore(%arg15 : memref<!tpu.dma_semaphore, #tpu.memory_space<semaphore_mem>>) src(%dma_wait3A_42 : memref<10000xi32, #tpu.memory_space<hbm>>) dst(%arg7 : memref<10000xi32, #tpu.memory_space<vmem>>)
    %dma_wait3A_43 = tpu.memref_slice %arg4[%mul3A_2] : memref<320000xi32, #tpu.memory_space<hbm>> -> memref<10000xi32, #tpu.memory_space<hbm>>
    %dma_wait3A_44 = tpu.memref_slice %arg4[%mul3A_2] : memref<320000xi32, #tpu.memory_space<hbm>> -> memref<10000xi32, #tpu.memory_space<hbm>>
    tpu.wait_dma2 semaphore(%arg15 : memref<!tpu.dma_semaphore, #tpu.memory_space<semaphore_mem>>) src(%dma_wait3A_44 : memref<10000xi32, #tpu.memory_space<hbm>>) dst(%arg8 : memref<10000xi32, #tpu.memory_space<vmem>>)
    %dma_wait3A_45 = tpu.memref_slice %arg5[%mul3A_2] : memref<320000xf32, #tpu.memory_space<hbm>> -> memref<10000xf32, #tpu.memory_space<hbm>>
    %dma_wait3A_46 = tpu.memref_slice %arg5[%mul3A_2] : memref<320000xf32, #tpu.memory_space<hbm>> -> memref<10000xf32, #tpu.memory_space<hbm>>
    tpu.wait_dma2 semaphore(%arg15 : memref<!tpu.dma_semaphore, #tpu.memory_space<semaphore_mem>>) src(%dma_wait3A_46 : memref<10000xf32, #tpu.memory_space<hbm>>) dst(%arg9 : memref<10000xf32, #tpu.memory_space<vmem>>)
    %barrier3A = arith.constant 0 : index
    tpu.barrier barrier_id(%barrier3A)
    %dma_start3A_47 = arith.constant 0 : i32
    %dma_start3A_48 = arith.constant 0 : i32
    %dma_start3A_49 = arith.constant 0 : i32
    %dma_start3A_50 = tpu.memref_slice %arg10[%dma_start3A_47, %dma_start3A_48, %dma_start3A_49] : memref<2x80x128xf32, #tpu.memory_space<vmem>> -> memref<1x80x128xf32, #tpu.memory_space<vmem>>
    %dma_start3A_51 = tpu.memref_squeeze %dma_start3A_50 : memref<1x80x128xf32, #tpu.memory_space<vmem>> -> memref<80x128xf32, #tpu.memory_space<vmem>>
    %dma_start3A_52 = arith.constant 0 : i32
    %dma_start3A_53 = tpu.memref_slice %arg7[%dma_start3A_52] : memref<10000xi32, #tpu.memory_space<vmem>> -> memref<80xi32, #tpu.memory_space<vmem>>
    %dma_start3A_54 = arith.constant 0 : i32
    %dma_start3A_55 = arith.constant 0 : i32
    %dma_start3A_56 = tpu.memref_slice %arg2[%dma_start3A_54, %dma_start3A_55] : memref<10000x128xf32, #tpu.memory_space<hbm>> -> memref<10000x128xf32, #tpu.memory_space<hbm>>
    tpu.enqueue_indirect_dma source(%dma_start3A_56 : memref<10000x128xf32, #tpu.memory_space<hbm>>) target(%dma_start3A_51 : memref<80x128xf32, #tpu.memory_space<vmem>>) offsets(%dma_start3A_53 : memref<80xi32, #tpu.memory_space<vmem>>) semaphore(%arg14 : memref<!tpu.dma_semaphore, #tpu.memory_space<semaphore_mem>>)
    %scan3A_57 = arith.constant 0 : i32
    %scan3A_58 = arith.constant 0 : i32
    %scan3A_59 = arith.constant 125 : i32
    %scan3A_60 = arith.addi %scan3A_58, %scan3A_59 : i32
    %scan3A_61 = arith.constant 1 : i32
    %scan3A_62 = scf.for %scan3A_70 = %scan3A_58 to %scan3A_60 step %scan3A_61 iter_args(%scan3A_71 = %scan3A_57) -> (i32)  : i32 {
      %rem3A = arith.constant 2 : i32
      %rem3A_72 = arith.remsi %scan3A_70, %rem3A : i32
      %add3A_73 = arith.constant 1 : i32
      %add3A_74 = arith.addi %scan3A_70, %add3A_73 : i32
      %lt3A = arith.constant 125 : i32
      %lt3A_75 = arith.cmpi slt, %add3A_74, %lt3A : i32
      %convert_element_type3A_76 = arith.extui %lt3A_75 : i1 to i32
      %cond3A_77 = arith.constant 0 : i32
      %cond3A_78 = arith.cmpi ne, %convert_element_type3A_76, %cond3A_77 : i32
      scf.if %cond3A_78 {
        %add3A_140 = arith.constant 1 : i32
        %add3A_141 = arith.addi %scan3A_70, %add3A_140 : i32
        %sub3A = arith.constant 1 : i32
        %sub3A_142 = arith.subi %sub3A, %rem3A_72 : i32
        %mul3A_143 = arith.constant 80 : i32
        %mul3A_144 = arith.muli %add3A_141, %mul3A_143 : i32
        %dma_start3A_145 = arith.constant 0 : i32
        %dma_start3A_146 = arith.constant 0 : i32
        %dma_start3A_147 = tpu.memref_slice %arg10[%sub3A_142, %dma_start3A_145, %dma_start3A_146] : memref<2x80x128xf32, #tpu.memory_space<vmem>> -> memref<1x80x128xf32, #tpu.memory_space<vmem>>
        %dma_start3A_148 = tpu.memref_squeeze %dma_start3A_147 : memref<1x80x128xf32, #tpu.memory_space<vmem>> -> memref<80x128xf32, #tpu.memory_space<vmem>>
        %dma_start3A_149 = tpu.memref_slice %arg7[%mul3A_144] : memref<10000xi32, #tpu.memory_space<vmem>> -> memref<80xi32, #tpu.memory_space<vmem>>
        %dma_start3A_150 = arith.constant 0 : i32
        %dma_start3A_151 = arith.constant 0 : i32
        %dma_start3A_152 = tpu.memref_slice %arg2[%dma_start3A_150, %dma_start3A_151] : memref<10000x128xf32, #tpu.memory_space<hbm>> -> memref<10000x128xf32, #tpu.memory_space<hbm>>
        tpu.enqueue_indirect_dma source(%dma_start3A_152 : memref<10000x128xf32, #tpu.memory_space<hbm>>) target(%dma_start3A_148 : memref<80x128xf32, #tpu.memory_space<vmem>>) offsets(%dma_start3A_149 : memref<80xi32, #tpu.memory_space<vmem>>) semaphore(%arg14 : memref<!tpu.dma_semaphore, #tpu.memory_space<semaphore_mem>>)
      } else {
      }
      %mul3A_79 = arith.constant 80 : i32
      %mul3A_80 = arith.muli %scan3A_70, %mul3A_79 : i32
      %dma_wait3A_81 = arith.constant 0 : i32
      %dma_wait3A_82 = arith.constant 0 : i32
      %dma_wait3A_83 = tpu.memref_slice %arg10[%rem3A_72, %dma_wait3A_81, %dma_wait3A_82] : memref<2x80x128xf32, #tpu.memory_space<vmem>> -> memref<1x80x128xf32, #tpu.memory_space<vmem>>
      %dma_wait3A_84 = tpu.memref_squeeze %dma_wait3A_83 : memref<1x80x128xf32, #tpu.memory_space<vmem>> -> memref<80x128xf32, #tpu.memory_space<vmem>>
      %dma_wait3A_85 = tpu.memref_slice %arg7[%mul3A_80] : memref<10000xi32, #tpu.memory_space<vmem>> -> memref<80xi32, #tpu.memory_space<vmem>>
      %dma_wait3A_86 = arith.constant 0 : i32
      %dma_wait3A_87 = arith.constant 0 : i32
      %dma_wait3A_88 = tpu.memref_slice %arg2[%dma_wait3A_86, %dma_wait3A_87] : memref<10000x128xf32, #tpu.memory_space<hbm>> -> memref<10000x128xf32, #tpu.memory_space<hbm>>
      tpu.wait_indirect_dma semaphore(%arg14 : memref<!tpu.dma_semaphore, #tpu.memory_space<semaphore_mem>>) src(%dma_wait3A_88 : memref<10000x128xf32, #tpu.memory_space<hbm>>) dst(%dma_wait3A_84 : memref<80x128xf32, #tpu.memory_space<vmem>>)
      %scan3A_89 = arith.constant 0 : i32
      %scan3A_90 = arith.constant 0 : i32
      %scan3A_91 = arith.constant 80 : i32
      %scan3A_92 = arith.addi %scan3A_90, %scan3A_91 : i32
      %scan3A_93 = arith.constant 8 : i32
      %scan3A_94 = scf.for %scan3A_140 = %scan3A_90 to %scan3A_92 step %scan3A_93 iter_args(%scan3A_141 = %scan3A_89) -> (i32)  : i32 {
        %mul3A_142 = arith.constant 80 : i32
        %mul3A_143 = arith.muli %scan3A_70, %mul3A_142 : i32
        %add3A_144 = arith.addi %mul3A_143, %scan3A_140 : i32
        %broadcast_in_dim3A_145 = vector.broadcast %add3A_144 : i32 to vector<16xi32>
        %gather3A = tpu.vector_load_idx %arg9[%broadcast_in_dim3A_145] : memref<10000xf32, #tpu.memory_space<vmem>>[vector<16xi32>], vector<16xf32>,
        %get3A_146 = arith.index_cast %rem3A_72 : i32 to index
        %get3A_147 = arith.index_cast %scan3A_140 : i32 to index
        %get3A_148 = arith.constant 0 : index
        %get3A_149 = tpu.vector_load %arg10[%get3A_146, %get3A_147, %get3A_148] {strides = array<i32>} : memref<2x80x128xf32, #tpu.memory_space<vmem>>, vector<16xf32>,
        %mul3A_150 = arith.mulf %get3A_149, %gather3A : vector<16xf32>
        %swap3A_151 = arith.index_cast %rem3A_72 : i32 to index
        %swap3A_152 = arith.index_cast %scan3A_140 : i32 to index
        %swap3A_153 = arith.constant 0 : index
        %swap3A_154 = tpu.vector_load %arg10[%swap3A_151, %swap3A_152, %swap3A_153] {strides = array<i32>} : memref<2x80x128xf32, #tpu.memory_space<vmem>>, vector<16xf32>,
        tpu.vector_store %arg10[%swap3A_151, %swap3A_152, %swap3A_153], %mul3A_150 {strides = array<i32>} : memref<2x80x128xf32, #tpu.memory_space<vmem>>, vector<16xf32>,
        %get3A_155 = arith.index_cast %rem3A_72 : i32 to index
        %get3A_156 = arith.index_cast %scan3A_140 : i32 to index
        %get3A_157 = arith.constant 16 : index
        %get3A_158 = tpu.vector_load %arg10[%get3A_155, %get3A_156, %get3A_157] {strides = array<i32>} : memref<2x80x128xf32, #tpu.memory_space<vmem>>, vector<16xf32>,
        %mul3A_159 = arith.mulf %get3A_158, %gather3A : vector<16xf32>
        %swap3A_160 = arith.index_cast %rem3A_72 : i32 to index
        %swap3A_161 = arith.index_cast %scan3A_140 : i32 to index
        %swap3A_162 = arith.constant 16 : index
        %swap3A_163 = tpu.vector_load %arg10[%swap3A_160, %swap3A_161, %swap3A_162] {strides = array<i32>} : memref<2x80x128xf32, #tpu.memory_space<vmem>>, vector<16xf32>,
        tpu.vector_store %arg10[%swap3A_160, %swap3A_161, %swap3A_162], %mul3A_159 {strides = array<i32>} : memref<2x80x128xf32, #tpu.memory_space<vmem>>, vector<16xf32>,
        %get3A_164 = arith.index_cast %rem3A_72 : i32 to index
        %get3A_165 = arith.index_cast %scan3A_140 : i32 to index
        %get3A_166 = arith.constant 32 : index
        %get3A_167 = tpu.vector_load %arg10[%get3A_164, %get3A_165, %get3A_166] {strides = array<i32>} : memref<2x80x128xf32, #tpu.memory_space<vmem>>, vector<16xf32>,
        %mul3A_168 = arith.mulf %get3A_167, %gather3A : vector<16xf32>
        %swap3A_169 = arith.index_cast %rem3A_72 : i32 to index
        %swap3A_170 = arith.index_cast %scan3A_140 : i32 to index
        %swap3A_171 = arith.constant 32 : index
        %swap3A_172 = tpu.vector_load %arg10[%swap3A_169, %swap3A_170, %swap3A_171] {strides = array<i32>} : memref<2x80x128xf32, #tpu.memory_space<vmem>>, vector<16xf32>,
        tpu.vector_store %arg10[%swap3A_169, %swap3A_170, %swap3A_171], %mul3A_168 {strides = array<i32>} : memref<2x80x128xf32, #tpu.memory_space<vmem>>, vector<16xf32>,
        %get3A_173 = arith.index_cast %rem3A_72 : i32 to index
        %get3A_174 = arith.index_cast %scan3A_140 : i32 to index
        %get3A_175 = arith.constant 48 : index
        %get3A_176 = tpu.vector_load %arg10[%get3A_173, %get3A_174, %get3A_175] {strides = array<i32>} : memref<2x80x128xf32, #tpu.memory_space<vmem>>, vector<16xf32>,
        %mul3A_177 = arith.mulf %get3A_176, %gather3A : vector<16xf32>
        %swap3A_178 = arith.index_cast %rem3A_72 : i32 to index
        %swap3A_179 = arith.index_cast %scan3A_140 : i32 to index
        %swap3A_180 = arith.constant 48 : index
        %swap3A_181 = tpu.vector_load %arg10[%swap3A_178, %swap3A_179, %swap3A_180] {strides = array<i32>} : memref<2x80x128xf32, #tpu.memory_space<vmem>>, vector<16xf32>,
        tpu.vector_store %arg10[%swap3A_178, %swap3A_179, %swap3A_180], %mul3A_177 {strides = array<i32>} : memref<2x80x128xf32, #tpu.memory_space<vmem>>, vector<16xf32>,
        %get3A_182 = arith.index_cast %rem3A_72 : i32 to index
        %get3A_183 = arith.index_cast %scan3A_140 : i32 to index
        %get3A_184 = arith.constant 64 : index
        %get3A_185 = tpu.vector_load %arg10[%get3A_182, %get3A_183, %get3A_184] {strides = array<i32>} : memref<2x80x128xf32, #tpu.memory_space<vmem>>, vector<16xf32>,
        %mul3A_186 = arith.mulf %get3A_185, %gather3A : vector<16xf32>
        %swap3A_187 = arith.index_cast %rem3A_72 : i32 to index
        %swap3A_188 = arith.index_cast %scan3A_140 : i32 to index
        %swap3A_189 = arith.constant 64 : index
        %swap3A_190 = tpu.vector_load %arg10[%swap3A_187, %swap3A_188, %swap3A_189] {strides = array<i32>} : memref<2x80x128xf32, #tpu.memory_space<vmem>>, vector<16xf32>,
        tpu.vector_store %arg10[%swap3A_187, %swap3A_188, %swap3A_189], %mul3A_186 {strides = array<i32>} : memref<2x80x128xf32, #tpu.memory_space<vmem>>, vector<16xf32>,
        %get3A_191 = arith.index_cast %rem3A_72 : i32 to index
        %get3A_192 = arith.index_cast %scan3A_140 : i32 to index
        %get3A_193 = arith.constant 80 : index
        %get3A_194 = tpu.vector_load %arg10[%get3A_191, %get3A_192, %get3A_193] {strides = array<i32>} : memref<2x80x128xf32, #tpu.memory_space<vmem>>, vector<16xf32>,
        %mul3A_195 = arith.mulf %get3A_194, %gather3A : vector<16xf32>
        %swap3A_196 = arith.index_cast %rem3A_72 : i32 to index
        %swap3A_197 = arith.index_cast %scan3A_140 : i32 to index
        %swap3A_198 = arith.constant 80 : index
        %swap3A_199 = tpu.vector_load %arg10[%swap3A_196, %swap3A_197, %swap3A_198] {strides = array<i32>} : memref<2x80x128xf32, #tpu.memory_space<vmem>>, vector<16xf32>,
        tpu.vector_store %arg10[%swap3A_196, %swap3A_197, %swap3A_198], %mul3A_195 {strides = array<i32>} : memref<2x80x128xf32, #tpu.memory_space<vmem>>, vector<16xf32>,
        %get3A_200 = arith.index_cast %rem3A_72 : i32 to index
        %get3A_201 = arith.index_cast %scan3A_140 : i32 to index
        %get3A_202 = arith.constant 96 : index
        %get3A_203 = tpu.vector_load %arg10[%get3A_200, %get3A_201, %get3A_202] {strides = array<i32>} : memref<2x80x128xf32, #tpu.memory_space<vmem>>, vector<16xf32>,
        %mul3A_204 = arith.mulf %get3A_203, %gather3A : vector<16xf32>
        %swap3A_205 = arith.index_cast %rem3A_72 : i32 to index
        %swap3A_206 = arith.index_cast %scan3A_140 : i32 to index
        %swap3A_207 = arith.constant 96 : index
        %swap3A_208 = tpu.vector_load %arg10[%swap3A_205, %swap3A_206, %swap3A_207] {strides = array<i32>} : memref<2x80x128xf32, #tpu.memory_space<vmem>>, vector<16xf32>,
        tpu.vector_store %arg10[%swap3A_205, %swap3A_206, %swap3A_207], %mul3A_204 {strides = array<i32>} : memref<2x80x128xf32, #tpu.memory_space<vmem>>, vector<16xf32>,
        %get3A_209 = arith.index_cast %rem3A_72 : i32 to index
        %get3A_210 = arith.index_cast %scan3A_140 : i32 to index
        %get3A_211 = arith.constant 112 : index
        %get3A_212 = tpu.vector_load %arg10[%get3A_209, %get3A_210, %get3A_211] {strides = array<i32>} : memref<2x80x128xf32, #tpu.memory_space<vmem>>, vector<16xf32>,
        %mul3A_213 = arith.mulf %get3A_212, %gather3A : vector<16xf32>
        %swap3A_214 = arith.index_cast %rem3A_72 : i32 to index
        %swap3A_215 = arith.index_cast %scan3A_140 : i32 to index
        %swap3A_216 = arith.constant 112 : index
        %swap3A_217 = tpu.vector_load %arg10[%swap3A_214, %swap3A_215, %swap3A_216] {strides = array<i32>} : memref<2x80x128xf32, #tpu.memory_space<vmem>>, vector<16xf32>,
        tpu.vector_store %arg10[%swap3A_214, %swap3A_215, %swap3A_216], %mul3A_213 {strides = array<i32>} : memref<2x80x128xf32, #tpu.memory_space<vmem>>, vector<16xf32>,
        %scan3A_218 = arith.constant 0 : i32
        %scan3A_219 = arith.constant 1 : i32
        %scan3A_220 = arith.addi %scan3A_140, %scan3A_219 : i32
        %mul3A_221 = arith.constant 80 : i32
        %mul3A_222 = arith.muli %scan3A_70, %mul3A_221 : i32
        %add3A_223 = arith.addi %mul3A_222, %scan3A_220 : i32
        %broadcast_in_dim3A_224 = vector.broadcast %add3A_223 : i32 to vector<16xi32>
        %gather3A_225 = tpu.vector_load_idx %arg9[%broadcast_in_dim3A_224] : memref<10000xf32, #tpu.memory_space<vmem>>[vector<16xi32>], vector<16xf32>,
        %get3A_226 = arith.index_cast %rem3A_72 : i32 to index
        %get3A_227 = arith.index_cast %scan3A_220 : i32 to index
        %get3A_228 = arith.constant 0 : index
        %get3A_229 = tpu.vector_load %arg10[%get3A_226, %get3A_227, %get3A_228] {strides = array<i32>} : memref<2x80x128xf32, #tpu.memory_space<vmem>>, vector<16xf32>,
        %mul3A_230 = arith.mulf %get3A_229, %gather3A_225 : vector<16xf32>
        %swap3A_231 = arith.index_cast %rem3A_72 : i32 to index
        %swap3A_232 = arith.index_cast %scan3A_220 : i32 to index
        %swap3A_233 = arith.constant 0 : index
        %swap3A_234 = tpu.vector_load %arg10[%swap3A_231, %swap3A_232, %swap3A_233] {strides = array<i32>} : memref<2x80x128xf32, #tpu.memory_space<vmem>>, vector<16xf32>,
        tpu.vector_store %arg10[%swap3A_231, %swap3A_232, %swap3A_233], %mul3A_230 {strides = array<i32>} : memref<2x80x128xf32, #tpu.memory_space<vmem>>, vector<16xf32>,
        %get3A_235 = arith.index_cast %rem3A_72 : i32 to index
        %get3A_236 = arith.index_cast %scan3A_220 : i32 to index
        %get3A_237 = arith.constant 16 : index
        %get3A_238 = tpu.vector_load %arg10[%get3A_235, %get3A_236, %get3A_237] {strides = array<i32>} : memref<2x80x128xf32, #tpu.memory_space<vmem>>, vector<16xf32>,
        %mul3A_239 = arith.mulf %get3A_238, %gather3A_225 : vector<16xf32>
        %swap3A_240 = arith.index_cast %rem3A_72 : i32 to index
        %swap3A_241 = arith.index_cast %scan3A_220 : i32 to index
        %swap3A_242 = arith.constant 16 : index
        %swap3A_243 = tpu.vector_load %arg10[%swap3A_240, %swap3A_241, %swap3A_242] {strides = array<i32>} : memref<2x80x128xf32, #tpu.memory_space<vmem>>, vector<16xf32>,
        tpu.vector_store %arg10[%swap3A_240, %swap3A_241, %swap3A_242], %mul3A_239 {strides = array<i32>} : memref<2x80x128xf32, #tpu.memory_space<vmem>>, vector<16xf32>,
        %get3A_244 = arith.index_cast %rem3A_72 : i32 to index
        %get3A_245 = arith.index_cast %scan3A_220 : i32 to index
        %get3A_246 = arith.constant 32 : index
        %get3A_247 = tpu.vector_load %arg10[%get3A_244, %get3A_245, %get3A_246] {strides = array<i32>} : memref<2x80x128xf32, #tpu.memory_space<vmem>>, vector<16xf32>,
        %mul3A_248 = arith.mulf %get3A_247, %gather3A_225 : vector<16xf32>
        %swap3A_249 = arith.index_cast %rem3A_72 : i32 to index
        %swap3A_250 = arith.index_cast %scan3A_220 : i32 to index
        %swap3A_251 = arith.constant 32 : index
        %swap3A_252 = tpu.vector_load %arg10[%swap3A_249, %swap3A_250, %swap3A_251] {strides = array<i32>} : memref<2x80x128xf32, #tpu.memory_space<vmem>>, vector<16xf32>,
        tpu.vector_store %arg10[%swap3A_249, %swap3A_250, %swap3A_251], %mul3A_248 {strides = array<i32>} : memref<2x80x128xf32, #tpu.memory_space<vmem>>, vector<16xf32>,
        %get3A_253 = arith.index_cast %rem3A_72 : i32 to index
        %get3A_254 = arith.index_cast %scan3A_220 : i32 to index
        %get3A_255 = arith.constant 48 : index
        %get3A_256 = tpu.vector_load %arg10[%get3A_253, %get3A_254, %get3A_255] {strides = array<i32>} : memref<2x80x128xf32, #tpu.memory_space<vmem>>, vector<16xf32>,
        %mul3A_257 = arith.mulf %get3A_256, %gather3A_225 : vector<16xf32>
        %swap3A_258 = arith.index_cast %rem3A_72 : i32 to index
        %swap3A_259 = arith.index_cast %scan3A_220 : i32 to index
        %swap3A_260 = arith.constant 48 : index
        %swap3A_261 = tpu.vector_load %arg10[%swap3A_258, %swap3A_259, %swap3A_260] {strides = array<i32>} : memref<2x80x128xf32, #tpu.memory_space<vmem>>, vector<16xf32>,
        tpu.vector_store %arg10[%swap3A_258, %swap3A_259, %swap3A_260], %mul3A_257 {strides = array<i32>} : memref<2x80x128xf32, #tpu.memory_space<vmem>>, vector<16xf32>,
        %get3A_262 = arith.index_cast %rem3A_72 : i32 to index
        %get3A_263 = arith.index_cast %scan3A_220 : i32 to index
        %get3A_264 = arith.constant 64 : index
        %get3A_265 = tpu.vector_load %arg10[%get3A_262, %get3A_263, %get3A_264] {strides = array<i32>} : memref<2x80x128xf32, #tpu.memory_space<vmem>>, vector<16xf32>,
        %mul3A_266 = arith.mulf %get3A_265, %gather3A_225 : vector<16xf32>
        %swap3A_267 = arith.index_cast %rem3A_72 : i32 to index
        %swap3A_268 = arith.index_cast %scan3A_220 : i32 to index
        %swap3A_269 = arith.constant 64 : index
        %swap3A_270 = tpu.vector_load %arg10[%swap3A_267, %swap3A_268, %swap3A_269] {strides = array<i32>} : memref<2x80x128xf32, #tpu.memory_space<vmem>>, vector<16xf32>,
        tpu.vector_store %arg10[%swap3A_267, %swap3A_268, %swap3A_269], %mul3A_266 {strides = array<i32>} : memref<2x80x128xf32, #tpu.memory_space<vmem>>, vector<16xf32>,
        %get3A_271 = arith.index_cast %rem3A_72 : i32 to index
        %get3A_272 = arith.index_cast %scan3A_220 : i32 to index
        %get3A_273 = arith.constant 80 : index
        %get3A_274 = tpu.vector_load %arg10[%get3A_271, %get3A_272, %get3A_273] {strides = array<i32>} : memref<2x80x128xf32, #tpu.memory_space<vmem>>, vector<16xf32>,
        %mul3A_275 = arith.mulf %get3A_274, %gather3A_225 : vector<16xf32>
        %swap3A_276 = arith.index_cast %rem3A_72 : i32 to index
        %swap3A_277 = arith.index_cast %scan3A_220 : i32 to index
        %swap3A_278 = arith.constant 80 : index
        %swap3A_279 = tpu.vector_load %arg10[%swap3A_276, %swap3A_277, %swap3A_278] {strides = array<i32>} : memref<2x80x128xf32, #tpu.memory_space<vmem>>, vector<16xf32>,
        tpu.vector_store %arg10[%swap3A_276, %swap3A_277, %swap3A_278], %mul3A_275 {strides = array<i32>} : memref<2x80x128xf32, #tpu.memory_space<vmem>>, vector<16xf32>,
        %get3A_280 = arith.index_cast %rem3A_72 : i32 to index
        %get3A_281 = arith.index_cast %scan3A_220 : i32 to index
        %get3A_282 = arith.constant 96 : index
        %get3A_283 = tpu.vector_load %arg10[%get3A_280, %get3A_281, %get3A_282] {strides = array<i32>} : memref<2x80x128xf32, #tpu.memory_space<vmem>>, vector<16xf32>,
        %mul3A_284 = arith.mulf %get3A_283, %gather3A_225 : vector<16xf32>
        %swap3A_285 = arith.index_cast %rem3A_72 : i32 to index
        %swap3A_286 = arith.index_cast %scan3A_220 : i32 to index
        %swap3A_287 = arith.constant 96 : index
        %swap3A_288 = tpu.vector_load %arg10[%swap3A_285, %swap3A_286, %swap3A_287] {strides = array<i32>} : memref<2x80x128xf32, #tpu.memory_space<vmem>>, vector<16xf32>,
        tpu.vector_store %arg10[%swap3A_285, %swap3A_286, %swap3A_287], %mul3A_284 {strides = array<i32>} : memref<2x80x128xf32, #tpu.memory_space<vmem>>, vector<16xf32>,
        %get3A_289 = arith.index_cast %rem3A_72 : i32 to index
        %get3A_290 = arith.index_cast %scan3A_220 : i32 to index
        %get3A_291 = arith.constant 112 : index
        %get3A_292 = tpu.vector_load %arg10[%get3A_289, %get3A_290, %get3A_291] {strides = array<i32>} : memref<2x80x128xf32, #tpu.memory_space<vmem>>, vector<16xf32>,
        %mul3A_293 = arith.mulf %get3A_292, %gather3A_225 : vector<16xf32>
        %swap3A_294 = arith.index_cast %rem3A_72 : i32 to index
        %swap3A_295 = arith.index_cast %scan3A_220 : i32 to index
        %swap3A_296 = arith.constant 112 : index
        %swap3A_297 = tpu.vector_load %arg10[%swap3A_294, %swap3A_295, %swap3A_296] {strides = array<i32>} : memref<2x80x128xf32, #tpu.memory_space<vmem>>, vector<16xf32>,
        tpu.vector_store %arg10[%swap3A_294, %swap3A_295, %swap3A_296], %mul3A_293 {strides = array<i32>} : memref<2x80x128xf32, #tpu.memory_space<vmem>>, vector<16xf32>,
        %scan3A_298 = arith.constant 0 : i32
        %scan3A_299 = arith.constant 2 : i32
        %scan3A_300 = arith.addi %scan3A_140, %scan3A_299 : i32
        %mul3A_301 = arith.constant 80 : i32
        %mul3A_302 = arith.muli %scan3A_70, %mul3A_301 : i32
        %add3A_303 = arith.addi %mul3A_302, %scan3A_300 : i32
        %broadcast_in_dim3A_304 = vector.broadcast %add3A_303 : i32 to vector<16xi32>
        %gather3A_305 = tpu.vector_load_idx %arg9[%broadcast_in_dim3A_304] : memref<10000xf32, #tpu.memory_space<vmem>>[vector<16xi32>], vector<16xf32>,
        %get3A_306 = arith.index_cast %rem3A_72 : i32 to index
        %get3A_307 = arith.index_cast %scan3A_300 : i32 to index
        %get3A_308 = arith.constant 0 : index
        %get3A_309 = tpu.vector_load %arg10[%get3A_306, %get3A_307, %get3A_308] {strides = array<i32>} : memref<2x80x128xf32, #tpu.memory_space<vmem>>, vector<16xf32>,
        %mul3A_310 = arith.mulf %get3A_309, %gather3A_305 : vector<16xf32>
        %swap3A_311 = arith.index_cast %rem3A_72 : i32 to index
        %swap3A_312 = arith.index_cast %scan3A_300 : i32 to index
        %swap3A_313 = arith.constant 0 : index
        %swap3A_314 = tpu.vector_load %arg10[%swap3A_311, %swap3A_312, %swap3A_313] {strides = array<i32>} : memref<2x80x128xf32, #tpu.memory_space<vmem>>, vector<16xf32>,
        tpu.vector_store %arg10[%swap3A_311, %swap3A_312, %swap3A_313], %mul3A_310 {strides = array<i32>} : memref<2x80x128xf32, #tpu.memory_space<vmem>>, vector<16xf32>,
        %get3A_315 = arith.index_cast %rem3A_72 : i32 to index
        %get3A_316 = arith.index_cast %scan3A_300 : i32 to index
        %get3A_317 = arith.constant 16 : index
        %get3A_318 = tpu.vector_load %arg10[%get3A_315, %get3A_316, %get3A_317] {strides = array<i32>} : memref<2x80x128xf32, #tpu.memory_space<vmem>>, vector<16xf32>,
        %mul3A_319 = arith.mulf %get3A_318, %gather3A_305 : vector<16xf32>
        %swap3A_320 = arith.index_cast %rem3A_72 : i32 to index
        %swap3A_321 = arith.index_cast %scan3A_300 : i32 to index
        %swap3A_322 = arith.constant 16 : index
        %swap3A_323 = tpu.vector_load %arg10[%swap3A_320, %swap3A_321, %swap3A_322] {strides = array<i32>} : memref<2x80x128xf32, #tpu.memory_space<vmem>>, vector<16xf32>,
        tpu.vector_store %arg10[%swap3A_320, %swap3A_321, %swap3A_322], %mul3A_319 {strides = array<i32>} : memref<2x80x128xf32, #tpu.memory_space<vmem>>, vector<16xf32>,
        %get3A_324 = arith.index_cast %rem3A_72 : i32 to index
        %get3A_325 = arith.index_cast %scan3A_300 : i32 to index
        %get3A_326 = arith.constant 32 : index
        %get3A_327 = tpu.vector_load %arg10[%get3A_324, %get3A_325, %get3A_326] {strides = array<i32>} : memref<2x80x128xf32, #tpu.memory_space<vmem>>, vector<16xf32>,
        %mul3A_328 = arith.mulf %get3A_327, %gather3A_305 : vector<16xf32>
        %swap3A_329 = arith.index_cast %rem3A_72 : i32 to index
        %swap3A_330 = arith.index_cast %scan3A_300 : i32 to index
        %swap3A_331 = arith.constant 32 : index
        %swap3A_332 = tpu.vector_load %arg10[%swap3A_329, %swap3A_330, %swap3A_331] {strides = array<i32>} : memref<2x80x128xf32, #tpu.memory_space<vmem>>, vector<16xf32>,
        tpu.vector_store %arg10[%swap3A_329, %swap3A_330, %swap3A_331], %mul3A_328 {strides = array<i32>} : memref<2x80x128xf32, #tpu.memory_space<vmem>>, vector<16xf32>,
        %get3A_333 = arith.index_cast %rem3A_72 : i32 to index
        %get3A_334 = arith.index_cast %scan3A_300 : i32 to index
        %get3A_335 = arith.constant 48 : index
        %get3A_336 = tpu.vector_load %arg10[%get3A_333, %get3A_334, %get3A_335] {strides = array<i32>} : memref<2x80x128xf32, #tpu.memory_space<vmem>>, vector<16xf32>,
        %mul3A_337 = arith.mulf %get3A_336, %gather3A_305 : vector<16xf32>
        %swap3A_338 = arith.index_cast %rem3A_72 : i32 to index
        %swap3A_339 = arith.index_cast %scan3A_300 : i32 to index
        %swap3A_340 = arith.constant 48 : index
        %swap3A_341 = tpu.vector_load %arg10[%swap3A_338, %swap3A_339, %swap3A_340] {strides = array<i32>} : memref<2x80x128xf32, #tpu.memory_space<vmem>>, vector<16xf32>,
        tpu.vector_store %arg10[%swap3A_338, %swap3A_339, %swap3A_340], %mul3A_337 {strides = array<i32>} : memref<2x80x128xf32, #tpu.memory_space<vmem>>, vector<16xf32>,
        %get3A_342 = arith.index_cast %rem3A_72 : i32 to index
        %get3A_343 = arith.index_cast %scan3A_300 : i32 to index
        %get3A_344 = arith.constant 64 : index
        %get3A_345 = tpu.vector_load %arg10[%get3A_342, %get3A_343, %get3A_344] {strides = array<i32>} : memref<2x80x128xf32, #tpu.memory_space<vmem>>, vector<16xf32>,
        %mul3A_346 = arith.mulf %get3A_345, %gather3A_305 : vector<16xf32>
        %swap3A_347 = arith.index_cast %rem3A_72 : i32 to index
        %swap3A_348 = arith.index_cast %scan3A_300 : i32 to index
        %swap3A_349 = arith.constant 64 : index
        %swap3A_350 = tpu.vector_load %arg10[%swap3A_347, %swap3A_348, %swap3A_349] {strides = array<i32>} : memref<2x80x128xf32, #tpu.memory_space<vmem>>, vector<16xf32>,
        tpu.vector_store %arg10[%swap3A_347, %swap3A_348, %swap3A_349], %mul3A_346 {strides = array<i32>} : memref<2x80x128xf32, #tpu.memory_space<vmem>>, vector<16xf32>,
        %get3A_351 = arith.index_cast %rem3A_72 : i32 to index
        %get3A_352 = arith.index_cast %scan3A_300 : i32 to index
        %get3A_353 = arith.constant 80 : index
        %get3A_354 = tpu.vector_load %arg10[%get3A_351, %get3A_352, %get3A_353] {strides = array<i32>} : memref<2x80x128xf32, #tpu.memory_space<vmem>>, vector<16xf32>,
        %mul3A_355 = arith.mulf %get3A_354, %gather3A_305 : vector<16xf32>
        %swap3A_356 = arith.index_cast %rem3A_72 : i32 to index
        %swap3A_357 = arith.index_cast %scan3A_300 : i32 to index
        %swap3A_358 = arith.constant 80 : index
        %swap3A_359 = tpu.vector_load %arg10[%swap3A_356, %swap3A_357, %swap3A_358] {strides = array<i32>} : memref<2x80x128xf32, #tpu.memory_space<vmem>>, vector<16xf32>,
        tpu.vector_store %arg10[%swap3A_356, %swap3A_357, %swap3A_358], %mul3A_355 {strides = array<i32>} : memref<2x80x128xf32, #tpu.memory_space<vmem>>, vector<16xf32>,
        %get3A_360 = arith.index_cast %rem3A_72 : i32 to index
        %get3A_361 = arith.index_cast %scan3A_300 : i32 to index
        %get3A_362 = arith.constant 96 : index
        %get3A_363 = tpu.vector_load %arg10[%get3A_360, %get3A_361, %get3A_362] {strides = array<i32>} : memref<2x80x128xf32, #tpu.memory_space<vmem>>, vector<16xf32>,
        %mul3A_364 = arith.mulf %get3A_363, %gather3A_305 : vector<16xf32>
        %swap3A_365 = arith.index_cast %rem3A_72 : i32 to index
        %swap3A_366 = arith.index_cast %scan3A_300 : i32 to index
        %swap3A_367 = arith.constant 96 : index
        %swap3A_368 = tpu.vector_load %arg10[%swap3A_365, %swap3A_366, %swap3A_367] {strides = array<i32>} : memref<2x80x128xf32, #tpu.memory_space<vmem>>, vector<16xf32>,
        tpu.vector_store %arg10[%swap3A_365, %swap3A_366, %swap3A_367], %mul3A_364 {strides = array<i32>} : memref<2x80x128xf32, #tpu.memory_space<vmem>>, vector<16xf32>,
        %get3A_369 = arith.index_cast %rem3A_72 : i32 to index
        %get3A_370 = arith.index_cast %scan3A_300 : i32 to index
        %get3A_371 = arith.constant 112 : index
        %get3A_372 = tpu.vector_load %arg10[%get3A_369, %get3A_370, %get3A_371] {strides = array<i32>} : memref<2x80x128xf32, #tpu.memory_space<vmem>>, vector<16xf32>,
        %mul3A_373 = arith.mulf %get3A_372, %gather3A_305 : vector<16xf32>
        %swap3A_374 = arith.index_cast %rem3A_72 : i32 to index
        %swap3A_375 = arith.index_cast %scan3A_300 : i32 to index
        %swap3A_376 = arith.constant 112 : index
        %swap3A_377 = tpu.vector_load %arg10[%swap3A_374, %swap3A_375, %swap3A_376] {strides = array<i32>} : memref<2x80x128xf32, #tpu.memory_space<vmem>>, vector<16xf32>,
        tpu.vector_store %arg10[%swap3A_374, %swap3A_375, %swap3A_376], %mul3A_373 {strides = array<i32>} : memref<2x80x128xf32, #tpu.memory_space<vmem>>, vector<16xf32>,
        %scan3A_378 = arith.constant 0 : i32
        %scan3A_379 = arith.constant 3 : i32
        %scan3A_380 = arith.addi %scan3A_140, %scan3A_379 : i32
        %mul3A_381 = arith.constant 80 : i32
        %mul3A_382 = arith.muli %scan3A_70, %mul3A_381 : i32
        %add3A_383 = arith.addi %mul3A_382, %scan3A_380 : i32
        %broadcast_in_dim3A_384 = vector.broadcast %add3A_383 : i32 to vector<16xi32>
        %gather3A_385 = tpu.vector_load_idx %arg9[%broadcast_in_dim3A_384] : memref<10000xf32, #tpu.memory_space<vmem>>[vector<16xi32>], vector<16xf32>,
        %get3A_386 = arith.index_cast %rem3A_72 : i32 to index
        %get3A_387 = arith.index_cast %scan3A_380 : i32 to index
        %get3A_388 = arith.constant 0 : index
        %get3A_389 = tpu.vector_load %arg10[%get3A_386, %get3A_387, %get3A_388] {strides = array<i32>} : memref<2x80x128xf32, #tpu.memory_space<vmem>>, vector<16xf32>,
        %mul3A_390 = arith.mulf %get3A_389, %gather3A_385 : vector<16xf32>
        %swap3A_391 = arith.index_cast %rem3A_72 : i32 to index
        %swap3A_392 = arith.index_cast %scan3A_380 : i32 to index
        %swap3A_393 = arith.constant 0 : index
        %swap3A_394 = tpu.vector_load %arg10[%swap3A_391, %swap3A_392, %swap3A_393] {strides = array<i32>} : memref<2x80x128xf32, #tpu.memory_space<vmem>>, vector<16xf32>,
        tpu.vector_store %arg10[%swap3A_391, %swap3A_392, %swap3A_393], %mul3A_390 {strides = array<i32>} : memref<2x80x128xf32, #tpu.memory_space<vmem>>, vector<16xf32>,
        %get3A_395 = arith.index_cast %rem3A_72 : i32 to index
        %get3A_396 = arith.index_cast %scan3A_380 : i32 to index
        %get3A_397 = arith.constant 16 : index
        %get3A_398 = tpu.vector_load %arg10[%get3A_395, %get3A_396, %get3A_397] {strides = array<i32>} : memref<2x80x128xf32, #tpu.memory_space<vmem>>, vector<16xf32>,
        %mul3A_399 = arith.mulf %get3A_398, %gather3A_385 : vector<16xf32>
        %swap3A_400 = arith.index_cast %rem3A_72 : i32 to index
        %swap3A_401 = arith.index_cast %scan3A_380 : i32 to index
        %swap3A_402 = arith.constant 16 : index
        %swap3A_403 = tpu.vector_load %arg10[%swap3A_400, %swap3A_401, %swap3A_402] {strides = array<i32>} : memref<2x80x128xf32, #tpu.memory_space<vmem>>, vector<16xf32>,
        tpu.vector_store %arg10[%swap3A_400, %swap3A_401, %swap3A_402], %mul3A_399 {strides = array<i32>} : memref<2x80x128xf32, #tpu.memory_space<vmem>>, vector<16xf32>,
        %get3A_404 = arith.index_cast %rem3A_72 : i32 to index
        %get3A_405 = arith.index_cast %scan3A_380 : i32 to index
        %get3A_406 = arith.constant 32 : index
        %get3A_407 = tpu.vector_load %arg10[%get3A_404, %get3A_405, %get3A_406] {strides = array<i32>} : memref<2x80x128xf32, #tpu.memory_space<vmem>>, vector<16xf32>,
        %mul3A_408 = arith.mulf %get3A_407, %gather3A_385 : vector<16xf32>
        %swap3A_409 = arith.index_cast %rem3A_72 : i32 to index
        %swap3A_410 = arith.index_cast %scan3A_380 : i32 to index
        %swap3A_411 = arith.constant 32 : index
        %swap3A_412 = tpu.vector_load %arg10[%swap3A_409, %swap3A_410, %swap3A_411] {strides = array<i32>} : memref<2x80x128xf32, #tpu.memory_space<vmem>>, vector<16xf32>,
        tpu.vector_store %arg10[%swap3A_409, %swap3A_410, %swap3A_411], %mul3A_408 {strides = array<i32>} : memref<2x80x128xf32, #tpu.memory_space<vmem>>, vector<16xf32>,
        %get3A_413 = arith.index_cast %rem3A_72 : i32 to index
        %get3A_414 = arith.index_cast %scan3A_380 : i32 to index
        %get3A_415 = arith.constant 48 : index
        %get3A_416 = tpu.vector_load %arg10[%get3A_413, %get3A_414, %get3A_415] {strides = array<i32>} : memref<2x80x128xf32, #tpu.memory_space<vmem>>, vector<16xf32>,
        %mul3A_417 = arith.mulf %get3A_416, %gather3A_385 : vector<16xf32>
        %swap3A_418 = arith.index_cast %rem3A_72 : i32 to index
        %swap3A_419 = arith.index_cast %scan3A_380 : i32 to index
        %swap3A_420 = arith.constant 48 : index
        %swap3A_421 = tpu.vector_load %arg10[%swap3A_418, %swap3A_419, %swap3A_420] {strides = array<i32>} : memref<2x80x128xf32, #tpu.memory_space<vmem>>, vector<16xf32>,
        tpu.vector_store %arg10[%swap3A_418, %swap3A_419, %swap3A_420], %mul3A_417 {strides = array<i32>} : memref<2x80x128xf32, #tpu.memory_space<vmem>>, vector<16xf32>,
        %get3A_422 = arith.index_cast %rem3A_72 : i32 to index
        %get3A_423 = arith.index_cast %scan3A_380 : i32 to index
        %get3A_424 = arith.constant 64 : index
        %get3A_425 = tpu.vector_load %arg10[%get3A_422, %get3A_423, %get3A_424] {strides = array<i32>} : memref<2x80x128xf32, #tpu.memory_space<vmem>>, vector<16xf32>,
        %mul3A_426 = arith.mulf %get3A_425, %gather3A_385 : vector<16xf32>
        %swap3A_427 = arith.index_cast %rem3A_72 : i32 to index
        %swap3A_428 = arith.index_cast %scan3A_380 : i32 to index
        %swap3A_429 = arith.constant 64 : index
        %swap3A_430 = tpu.vector_load %arg10[%swap3A_427, %swap3A_428, %swap3A_429] {strides = array<i32>} : memref<2x80x128xf32, #tpu.memory_space<vmem>>, vector<16xf32>,
        tpu.vector_store %arg10[%swap3A_427, %swap3A_428, %swap3A_429], %mul3A_426 {strides = array<i32>} : memref<2x80x128xf32, #tpu.memory_space<vmem>>, vector<16xf32>,
        %get3A_431 = arith.index_cast %rem3A_72 : i32 to index
        %get3A_432 = arith.index_cast %scan3A_380 : i32 to index
        %get3A_433 = arith.constant 80 : index
        %get3A_434 = tpu.vector_load %arg10[%get3A_431, %get3A_432, %get3A_433] {strides = array<i32>} : memref<2x80x128xf32, #tpu.memory_space<vmem>>, vector<16xf32>,
        %mul3A_435 = arith.mulf %get3A_434, %gather3A_385 : vector<16xf32>
        %swap3A_436 = arith.index_cast %rem3A_72 : i32 to index
        %swap3A_437 = arith.index_cast %scan3A_380 : i32 to index
        %swap3A_438 = arith.constant 80 : index
        %swap3A_439 = tpu.vector_load %arg10[%swap3A_436, %swap3A_437, %swap3A_438] {strides = array<i32>} : memref<2x80x128xf32, #tpu.memory_space<vmem>>, vector<16xf32>,
        tpu.vector_store %arg10[%swap3A_436, %swap3A_437, %swap3A_438], %mul3A_435 {strides = array<i32>} : memref<2x80x128xf32, #tpu.memory_space<vmem>>, vector<16xf32>,
        %get3A_440 = arith.index_cast %rem3A_72 : i32 to index
        %get3A_441 = arith.index_cast %scan3A_380 : i32 to index
        %get3A_442 = arith.constant 96 : index
        %get3A_443 = tpu.vector_load %arg10[%get3A_440, %get3A_441, %get3A_442] {strides = array<i32>} : memref<2x80x128xf32, #tpu.memory_space<vmem>>, vector<16xf32>,
        %mul3A_444 = arith.mulf %get3A_443, %gather3A_385 : vector<16xf32>
        %swap3A_445 = arith.index_cast %rem3A_72 : i32 to index
        %swap3A_446 = arith.index_cast %scan3A_380 : i32 to index
        %swap3A_447 = arith.constant 96 : index
        %swap3A_448 = tpu.vector_load %arg10[%swap3A_445, %swap3A_446, %swap3A_447] {strides = array<i32>} : memref<2x80x128xf32, #tpu.memory_space<vmem>>, vector<16xf32>,
        tpu.vector_store %arg10[%swap3A_445, %swap3A_446, %swap3A_447], %mul3A_444 {strides = array<i32>} : memref<2x80x128xf32, #tpu.memory_space<vmem>>, vector<16xf32>,
        %get3A_449 = arith.index_cast %rem3A_72 : i32 to index
        %get3A_450 = arith.index_cast %scan3A_380 : i32 to index
        %get3A_451 = arith.constant 112 : index
        %get3A_452 = tpu.vector_load %arg10[%get3A_449, %get3A_450, %get3A_451] {strides = array<i32>} : memref<2x80x128xf32, #tpu.memory_space<vmem>>, vector<16xf32>,
        %mul3A_453 = arith.mulf %get3A_452, %gather3A_385 : vector<16xf32>
        %swap3A_454 = arith.index_cast %rem3A_72 : i32 to index
        %swap3A_455 = arith.index_cast %scan3A_380 : i32 to index
        %swap3A_456 = arith.constant 112 : index
        %swap3A_457 = tpu.vector_load %arg10[%swap3A_454, %swap3A_455, %swap3A_456] {strides = array<i32>} : memref<2x80x128xf32, #tpu.memory_space<vmem>>, vector<16xf32>,
        tpu.vector_store %arg10[%swap3A_454, %swap3A_455, %swap3A_456], %mul3A_453 {strides = array<i32>} : memref<2x80x128xf32, #tpu.memory_space<vmem>>, vector<16xf32>,
        %scan3A_458 = arith.constant 0 : i32
        %scan3A_459 = arith.constant 4 : i32
        %scan3A_460 = arith.addi %scan3A_140, %scan3A_459 : i32
        %mul3A_461 = arith.constant 80 : i32
        %mul3A_462 = arith.muli %scan3A_70, %mul3A_461 : i32
        %add3A_463 = arith.addi %mul3A_462, %scan3A_460 : i32
        %broadcast_in_dim3A_464 = vector.broadcast %add3A_463 : i32 to vector<16xi32>
        %gather3A_465 = tpu.vector_load_idx %arg9[%broadcast_in_dim3A_464] : memref<10000xf32, #tpu.memory_space<vmem>>[vector<16xi32>], vector<16xf32>,
        %get3A_466 = arith.index_cast %rem3A_72 : i32 to index
        %get3A_467 = arith.index_cast %scan3A_460 : i32 to index
        %get3A_468 = arith.constant 0 : index
        %get3A_469 = tpu.vector_load %arg10[%get3A_466, %get3A_467, %get3A_468] {strides = array<i32>} : memref<2x80x128xf32, #tpu.memory_space<vmem>>, vector<16xf32>,
        %mul3A_470 = arith.mulf %get3A_469, %gather3A_465 : vector<16xf32>
        %swap3A_471 = arith.index_cast %rem3A_72 : i32 to index
        %swap3A_472 = arith.index_cast %scan3A_460 : i32 to index
        %swap3A_473 = arith.constant 0 : index
        %swap3A_474 = tpu.vector_load %arg10[%swap3A_471, %swap3A_472, %swap3A_473] {strides = array<i32>} : memref<2x80x128xf32, #tpu.memory_space<vmem>>, vector<16xf32>,
        tpu.vector_store %arg10[%swap3A_471, %swap3A_472, %swap3A_473], %mul3A_470 {strides = array<i32>} : memref<2x80x128xf32, #tpu.memory_space<vmem>>, vector<16xf32>,
        %get3A_475 = arith.index_cast %rem3A_72 : i32 to index
        %get3A_476 = arith.index_cast %scan3A_460 : i32 to index
        %get3A_477 = arith.constant 16 : index
        %get3A_478 = tpu.vector_load %arg10[%get3A_475, %get3A_476, %get3A_477] {strides = array<i32>} : memref<2x80x128xf32, #tpu.memory_space<vmem>>, vector<16xf32>,
        %mul3A_479 = arith.mulf %get3A_478, %gather3A_465 : vector<16xf32>
        %swap3A_480 = arith.index_cast %rem3A_72 : i32 to index
        %swap3A_481 = arith.index_cast %scan3A_460 : i32 to index
        %swap3A_482 = arith.constant 16 : index
        %swap3A_483 = tpu.vector_load %arg10[%swap3A_480, %swap3A_481, %swap3A_482] {strides = array<i32>} : memref<2x80x128xf32, #tpu.memory_space<vmem>>, vector<16xf32>,
        tpu.vector_store %arg10[%swap3A_480, %swap3A_481, %swap3A_482], %mul3A_479 {strides = array<i32>} : memref<2x80x128xf32, #tpu.memory_space<vmem>>, vector<16xf32>,
        %get3A_484 = arith.index_cast %rem3A_72 : i32 to index
        %get3A_485 = arith.index_cast %scan3A_460 : i32 to index
        %get3A_486 = arith.constant 32 : index
        %get3A_487 = tpu.vector_load %arg10[%get3A_484, %get3A_485, %get3A_486] {strides = array<i32>} : memref<2x80x128xf32, #tpu.memory_space<vmem>>, vector<16xf32>,
        %mul3A_488 = arith.mulf %get3A_487, %gather3A_465 : vector<16xf32>
        %swap3A_489 = arith.index_cast %rem3A_72 : i32 to index
        %swap3A_490 = arith.index_cast %scan3A_460 : i32 to index
        %swap3A_491 = arith.constant 32 : index
        %swap3A_492 = tpu.vector_load %arg10[%swap3A_489, %swap3A_490, %swap3A_491] {strides = array<i32>} : memref<2x80x128xf32, #tpu.memory_space<vmem>>, vector<16xf32>,
        tpu.vector_store %arg10[%swap3A_489, %swap3A_490, %swap3A_491], %mul3A_488 {strides = array<i32>} : memref<2x80x128xf32, #tpu.memory_space<vmem>>, vector<16xf32>,
        %get3A_493 = arith.index_cast %rem3A_72 : i32 to index
        %get3A_494 = arith.index_cast %scan3A_460 : i32 to index
        %get3A_495 = arith.constant 48 : index
        %get3A_496 = tpu.vector_load %arg10[%get3A_493, %get3A_494, %get3A_495] {strides = array<i32>} : memref<2x80x128xf32, #tpu.memory_space<vmem>>, vector<16xf32>,
        %mul3A_497 = arith.mulf %get3A_496, %gather3A_465 : vector<16xf32>
        %swap3A_498 = arith.index_cast %rem3A_72 : i32 to index
        %swap3A_499 = arith.index_cast %scan3A_460 : i32 to index
        %swap3A_500 = arith.constant 48 : index
        %swap3A_501 = tpu.vector_load %arg10[%swap3A_498, %swap3A_499, %swap3A_500] {strides = array<i32>} : memref<2x80x128xf32, #tpu.memory_space<vmem>>, vector<16xf32>,
        tpu.vector_store %arg10[%swap3A_498, %swap3A_499, %swap3A_500], %mul3A_497 {strides = array<i32>} : memref<2x80x128xf32, #tpu.memory_space<vmem>>, vector<16xf32>,
        %get3A_502 = arith.index_cast %rem3A_72 : i32 to index
        %get3A_503 = arith.index_cast %scan3A_460 : i32 to index
        %get3A_504 = arith.constant 64 : index
        %get3A_505 = tpu.vector_load %arg10[%get3A_502, %get3A_503, %get3A_504] {strides = array<i32>} : memref<2x80x128xf32, #tpu.memory_space<vmem>>, vector<16xf32>,
        %mul3A_506 = arith.mulf %get3A_505, %gather3A_465 : vector<16xf32>
        %swap3A_507 = arith.index_cast %rem3A_72 : i32 to index
        %swap3A_508 = arith.index_cast %scan3A_460 : i32 to index
        %swap3A_509 = arith.constant 64 : index
        %swap3A_510 = tpu.vector_load %arg10[%swap3A_507, %swap3A_508, %swap3A_509] {strides = array<i32>} : memref<2x80x128xf32, #tpu.memory_space<vmem>>, vector<16xf32>,
        tpu.vector_store %arg10[%swap3A_507, %swap3A_508, %swap3A_509], %mul3A_506 {strides = array<i32>} : memref<2x80x128xf32, #tpu.memory_space<vmem>>, vector<16xf32>,
        %get3A_511 = arith.index_cast %rem3A_72 : i32 to index
        %get3A_512 = arith.index_cast %scan3A_460 : i32 to index
        %get3A_513 = arith.constant 80 : index
        %get3A_514 = tpu.vector_load %arg10[%get3A_511, %get3A_512, %get3A_513] {strides = array<i32>} : memref<2x80x128xf32, #tpu.memory_space<vmem>>, vector<16xf32>,
        %mul3A_515 = arith.mulf %get3A_514, %gather3A_465 : vector<16xf32>
        %swap3A_516 = arith.index_cast %rem3A_72 : i32 to index
        %swap3A_517 = arith.index_cast %scan3A_460 : i32 to index
        %swap3A_518 = arith.constant 80 : index
        %swap3A_519 = tpu.vector_load %arg10[%swap3A_516, %swap3A_517, %swap3A_518] {strides = array<i32>} : memref<2x80x128xf32, #tpu.memory_space<vmem>>, vector<16xf32>,
        tpu.vector_store %arg10[%swap3A_516, %swap3A_517, %swap3A_518], %mul3A_515 {strides = array<i32>} : memref<2x80x128xf32, #tpu.memory_space<vmem>>, vector<16xf32>,
        %get3A_520 = arith.index_cast %rem3A_72 : i32 to index
        %get3A_521 = arith.index_cast %scan3A_460 : i32 to index
        %get3A_522 = arith.constant 96 : index
        %get3A_523 = tpu.vector_load %arg10[%get3A_520, %get3A_521, %get3A_522] {strides = array<i32>} : memref<2x80x128xf32, #tpu.memory_space<vmem>>, vector<16xf32>,
        %mul3A_524 = arith.mulf %get3A_523, %gather3A_465 : vector<16xf32>
        %swap3A_525 = arith.index_cast %rem3A_72 : i32 to index
        %swap3A_526 = arith.index_cast %scan3A_460 : i32 to index
        %swap3A_527 = arith.constant 96 : index
        %swap3A_528 = tpu.vector_load %arg10[%swap3A_525, %swap3A_526, %swap3A_527] {strides = array<i32>} : memref<2x80x128xf32, #tpu.memory_space<vmem>>, vector<16xf32>,
        tpu.vector_store %arg10[%swap3A_525, %swap3A_526, %swap3A_527], %mul3A_524 {strides = array<i32>} : memref<2x80x128xf32, #tpu.memory_space<vmem>>, vector<16xf32>,
        %get3A_529 = arith.index_cast %rem3A_72 : i32 to index
        %get3A_530 = arith.index_cast %scan3A_460 : i32 to index
        %get3A_531 = arith.constant 112 : index
        %get3A_532 = tpu.vector_load %arg10[%get3A_529, %get3A_530, %get3A_531] {strides = array<i32>} : memref<2x80x128xf32, #tpu.memory_space<vmem>>, vector<16xf32>,
        %mul3A_533 = arith.mulf %get3A_532, %gather3A_465 : vector<16xf32>
        %swap3A_534 = arith.index_cast %rem3A_72 : i32 to index
        %swap3A_535 = arith.index_cast %scan3A_460 : i32 to index
        %swap3A_536 = arith.constant 112 : index
        %swap3A_537 = tpu.vector_load %arg10[%swap3A_534, %swap3A_535, %swap3A_536] {strides = array<i32>} : memref<2x80x128xf32, #tpu.memory_space<vmem>>, vector<16xf32>,
        tpu.vector_store %arg10[%swap3A_534, %swap3A_535, %swap3A_536], %mul3A_533 {strides = array<i32>} : memref<2x80x128xf32, #tpu.memory_space<vmem>>, vector<16xf32>,
        %scan3A_538 = arith.constant 0 : i32
        %scan3A_539 = arith.constant 5 : i32
        %scan3A_540 = arith.addi %scan3A_140, %scan3A_539 : i32
        %mul3A_541 = arith.constant 80 : i32
        %mul3A_542 = arith.muli %scan3A_70, %mul3A_541 : i32
        %add3A_543 = arith.addi %mul3A_542, %scan3A_540 : i32
        %broadcast_in_dim3A_544 = vector.broadcast %add3A_543 : i32 to vector<16xi32>
        %gather3A_545 = tpu.vector_load_idx %arg9[%broadcast_in_dim3A_544] : memref<10000xf32, #tpu.memory_space<vmem>>[vector<16xi32>], vector<16xf32>,
        %get3A_546 = arith.index_cast %rem3A_72 : i32 to index
        %get3A_547 = arith.index_cast %scan3A_540 : i32 to index
        %get3A_548 = arith.constant 0 : index
        %get3A_549 = tpu.vector_load %arg10[%get3A_546, %get3A_547, %get3A_548] {strides = array<i32>} : memref<2x80x128xf32, #tpu.memory_space<vmem>>, vector<16xf32>,
        %mul3A_550 = arith.mulf %get3A_549, %gather3A_545 : vector<16xf32>
        %swap3A_551 = arith.index_cast %rem3A_72 : i32 to index
        %swap3A_552 = arith.index_cast %scan3A_540 : i32 to index
        %swap3A_553 = arith.constant 0 : index
        %swap3A_554 = tpu.vector_load %arg10[%swap3A_551, %swap3A_552, %swap3A_553] {strides = array<i32>} : memref<2x80x128xf32, #tpu.memory_space<vmem>>, vector<16xf32>,
        tpu.vector_store %arg10[%swap3A_551, %swap3A_552, %swap3A_553], %mul3A_550 {strides = array<i32>} : memref<2x80x128xf32, #tpu.memory_space<vmem>>, vector<16xf32>,
        %get3A_555 = arith.index_cast %rem3A_72 : i32 to index
        %get3A_556 = arith.index_cast %scan3A_540 : i32 to index
        %get3A_557 = arith.constant 16 : index
        %get3A_558 = tpu.vector_load %arg10[%get3A_555, %get3A_556, %get3A_557] {strides = array<i32>} : memref<2x80x128xf32, #tpu.memory_space<vmem>>, vector<16xf32>,
        %mul3A_559 = arith.mulf %get3A_558, %gather3A_545 : vector<16xf32>
        %swap3A_560 = arith.index_cast %rem3A_72 : i32 to index
        %swap3A_561 = arith.index_cast %scan3A_540 : i32 to index
        %swap3A_562 = arith.constant 16 : index
        %swap3A_563 = tpu.vector_load %arg10[%swap3A_560, %swap3A_561, %swap3A_562] {strides = array<i32>} : memref<2x80x128xf32, #tpu.memory_space<vmem>>, vector<16xf32>,
        tpu.vector_store %arg10[%swap3A_560, %swap3A_561, %swap3A_562], %mul3A_559 {strides = array<i32>} : memref<2x80x128xf32, #tpu.memory_space<vmem>>, vector<16xf32>,
        %get3A_564 = arith.index_cast %rem3A_72 : i32 to index
        %get3A_565 = arith.index_cast %scan3A_540 : i32 to index
        %get3A_566 = arith.constant 32 : index
        %get3A_567 = tpu.vector_load %arg10[%get3A_564, %get3A_565, %get3A_566] {strides = array<i32>} : memref<2x80x128xf32, #tpu.memory_space<vmem>>, vector<16xf32>,
        %mul3A_568 = arith.mulf %get3A_567, %gather3A_545 : vector<16xf32>
        %swap3A_569 = arith.index_cast %rem3A_72 : i32 to index
        %swap3A_570 = arith.index_cast %scan3A_540 : i32 to index
        %swap3A_571 = arith.constant 32 : index
        %swap3A_572 = tpu.vector_load %arg10[%swap3A_569, %swap3A_570, %swap3A_571] {strides = array<i32>} : memref<2x80x128xf32, #tpu.memory_space<vmem>>, vector<16xf32>,
        tpu.vector_store %arg10[%swap3A_569, %swap3A_570, %swap3A_571], %mul3A_568 {strides = array<i32>} : memref<2x80x128xf32, #tpu.memory_space<vmem>>, vector<16xf32>,
        %get3A_573 = arith.index_cast %rem3A_72 : i32 to index
        %get3A_574 = arith.index_cast %scan3A_540 : i32 to index
        %get3A_575 = arith.constant 48 : index
        %get3A_576 = tpu.vector_load %arg10[%get3A_573, %get3A_574, %get3A_575] {strides = array<i32>} : memref<2x80x128xf32, #tpu.memory_space<vmem>>, vector<16xf32>,
        %mul3A_577 = arith.mulf %get3A_576, %gather3A_545 : vector<16xf32>
        %swap3A_578 = arith.index_cast %rem3A_72 : i32 to index
        %swap3A_579 = arith.index_cast %scan3A_540 : i32 to index
        %swap3A_580 = arith.constant 48 : index
        %swap3A_581 = tpu.vector_load %arg10[%swap3A_578, %swap3A_579, %swap3A_580] {strides = array<i32>} : memref<2x80x128xf32, #tpu.memory_space<vmem>>, vector<16xf32>,
        tpu.vector_store %arg10[%swap3A_578, %swap3A_579, %swap3A_580], %mul3A_577 {strides = array<i32>} : memref<2x80x128xf32, #tpu.memory_space<vmem>>, vector<16xf32>,
        %get3A_582 = arith.index_cast %rem3A_72 : i32 to index
        %get3A_583 = arith.index_cast %scan3A_540 : i32 to index
        %get3A_584 = arith.constant 64 : index
        %get3A_585 = tpu.vector_load %arg10[%get3A_582, %get3A_583, %get3A_584] {strides = array<i32>} : memref<2x80x128xf32, #tpu.memory_space<vmem>>, vector<16xf32>,
        %mul3A_586 = arith.mulf %get3A_585, %gather3A_545 : vector<16xf32>
        %swap3A_587 = arith.index_cast %rem3A_72 : i32 to index
        %swap3A_588 = arith.index_cast %scan3A_540 : i32 to index
        %swap3A_589 = arith.constant 64 : index
        %swap3A_590 = tpu.vector_load %arg10[%swap3A_587, %swap3A_588, %swap3A_589] {strides = array<i32>} : memref<2x80x128xf32, #tpu.memory_space<vmem>>, vector<16xf32>,
        tpu.vector_store %arg10[%swap3A_587, %swap3A_588, %swap3A_589], %mul3A_586 {strides = array<i32>} : memref<2x80x128xf32, #tpu.memory_space<vmem>>, vector<16xf32>,
        %get3A_591 = arith.index_cast %rem3A_72 : i32 to index
        %get3A_592 = arith.index_cast %scan3A_540 : i32 to index
        %get3A_593 = arith.constant 80 : index
        %get3A_594 = tpu.vector_load %arg10[%get3A_591, %get3A_592, %get3A_593] {strides = array<i32>} : memref<2x80x128xf32, #tpu.memory_space<vmem>>, vector<16xf32>,
        %mul3A_595 = arith.mulf %get3A_594, %gather3A_545 : vector<16xf32>
        %swap3A_596 = arith.index_cast %rem3A_72 : i32 to index
        %swap3A_597 = arith.index_cast %scan3A_540 : i32 to index
        %swap3A_598 = arith.constant 80 : index
        %swap3A_599 = tpu.vector_load %arg10[%swap3A_596, %swap3A_597, %swap3A_598] {strides = array<i32>} : memref<2x80x128xf32, #tpu.memory_space<vmem>>, vector<16xf32>,
        tpu.vector_store %arg10[%swap3A_596, %swap3A_597, %swap3A_598], %mul3A_595 {strides = array<i32>} : memref<2x80x128xf32, #tpu.memory_space<vmem>>, vector<16xf32>,
        %get3A_600 = arith.index_cast %rem3A_72 : i32 to index
        %get3A_601 = arith.index_cast %scan3A_540 : i32 to index
        %get3A_602 = arith.constant 96 : index
        %get3A_603 = tpu.vector_load %arg10[%get3A_600, %get3A_601, %get3A_602] {strides = array<i32>} : memref<2x80x128xf32, #tpu.memory_space<vmem>>, vector<16xf32>,
        %mul3A_604 = arith.mulf %get3A_603, %gather3A_545 : vector<16xf32>
        %swap3A_605 = arith.index_cast %rem3A_72 : i32 to index
        %swap3A_606 = arith.index_cast %scan3A_540 : i32 to index
        %swap3A_607 = arith.constant 96 : index
        %swap3A_608 = tpu.vector_load %arg10[%swap3A_605, %swap3A_606, %swap3A_607] {strides = array<i32>} : memref<2x80x128xf32, #tpu.memory_space<vmem>>, vector<16xf32>,
        tpu.vector_store %arg10[%swap3A_605, %swap3A_606, %swap3A_607], %mul3A_604 {strides = array<i32>} : memref<2x80x128xf32, #tpu.memory_space<vmem>>, vector<16xf32>,
        %get3A_609 = arith.index_cast %rem3A_72 : i32 to index
        %get3A_610 = arith.index_cast %scan3A_540 : i32 to index
        %get3A_611 = arith.constant 112 : index
        %get3A_612 = tpu.vector_load %arg10[%get3A_609, %get3A_610, %get3A_611] {strides = array<i32>} : memref<2x80x128xf32, #tpu.memory_space<vmem>>, vector<16xf32>,
        %mul3A_613 = arith.mulf %get3A_612, %gather3A_545 : vector<16xf32>
        %swap3A_614 = arith.index_cast %rem3A_72 : i32 to index
        %swap3A_615 = arith.index_cast %scan3A_540 : i32 to index
        %swap3A_616 = arith.constant 112 : index
        %swap3A_617 = tpu.vector_load %arg10[%swap3A_614, %swap3A_615, %swap3A_616] {strides = array<i32>} : memref<2x80x128xf32, #tpu.memory_space<vmem>>, vector<16xf32>,
        tpu.vector_store %arg10[%swap3A_614, %swap3A_615, %swap3A_616], %mul3A_613 {strides = array<i32>} : memref<2x80x128xf32, #tpu.memory_space<vmem>>, vector<16xf32>,
        %scan3A_618 = arith.constant 0 : i32
        %scan3A_619 = arith.constant 6 : i32
        %scan3A_620 = arith.addi %scan3A_140, %scan3A_619 : i32
        %mul3A_621 = arith.constant 80 : i32
        %mul3A_622 = arith.muli %scan3A_70, %mul3A_621 : i32
        %add3A_623 = arith.addi %mul3A_622, %scan3A_620 : i32
        %broadcast_in_dim3A_624 = vector.broadcast %add3A_623 : i32 to vector<16xi32>
        %gather3A_625 = tpu.vector_load_idx %arg9[%broadcast_in_dim3A_624] : memref<10000xf32, #tpu.memory_space<vmem>>[vector<16xi32>], vector<16xf32>,
        %get3A_626 = arith.index_cast %rem3A_72 : i32 to index
        %get3A_627 = arith.index_cast %scan3A_620 : i32 to index
        %get3A_628 = arith.constant 0 : index
        %get3A_629 = tpu.vector_load %arg10[%get3A_626, %get3A_627, %get3A_628] {strides = array<i32>} : memref<2x80x128xf32, #tpu.memory_space<vmem>>, vector<16xf32>,
        %mul3A_630 = arith.mulf %get3A_629, %gather3A_625 : vector<16xf32>
        %swap3A_631 = arith.index_cast %rem3A_72 : i32 to index
        %swap3A_632 = arith.index_cast %scan3A_620 : i32 to index
        %swap3A_633 = arith.constant 0 : index
        %swap3A_634 = tpu.vector_load %arg10[%swap3A_631, %swap3A_632, %swap3A_633] {strides = array<i32>} : memref<2x80x128xf32, #tpu.memory_space<vmem>>, vector<16xf32>,
        tpu.vector_store %arg10[%swap3A_631, %swap3A_632, %swap3A_633], %mul3A_630 {strides = array<i32>} : memref<2x80x128xf32, #tpu.memory_space<vmem>>, vector<16xf32>,
        %get3A_635 = arith.index_cast %rem3A_72 : i32 to index
        %get3A_636 = arith.index_cast %scan3A_620 : i32 to index
        %get3A_637 = arith.constant 16 : index
        %get3A_638 = tpu.vector_load %arg10[%get3A_635, %get3A_636, %get3A_637] {strides = array<i32>} : memref<2x80x128xf32, #tpu.memory_space<vmem>>, vector<16xf32>,
        %mul3A_639 = arith.mulf %get3A_638, %gather3A_625 : vector<16xf32>
        %swap3A_640 = arith.index_cast %rem3A_72 : i32 to index
        %swap3A_641 = arith.index_cast %scan3A_620 : i32 to index
        %swap3A_642 = arith.constant 16 : index
        %swap3A_643 = tpu.vector_load %arg10[%swap3A_640, %swap3A_641, %swap3A_642] {strides = array<i32>} : memref<2x80x128xf32, #tpu.memory_space<vmem>>, vector<16xf32>,
        tpu.vector_store %arg10[%swap3A_640, %swap3A_641, %swap3A_642], %mul3A_639 {strides = array<i32>} : memref<2x80x128xf32, #tpu.memory_space<vmem>>, vector<16xf32>,
        %get3A_644 = arith.index_cast %rem3A_72 : i32 to index
        %get3A_645 = arith.index_cast %scan3A_620 : i32 to index
        %get3A_646 = arith.constant 32 : index
        %get3A_647 = tpu.vector_load %arg10[%get3A_644, %get3A_645, %get3A_646] {strides = array<i32>} : memref<2x80x128xf32, #tpu.memory_space<vmem>>, vector<16xf32>,
        %mul3A_648 = arith.mulf %get3A_647, %gather3A_625 : vector<16xf32>
        %swap3A_649 = arith.index_cast %rem3A_72 : i32 to index
        %swap3A_650 = arith.index_cast %scan3A_620 : i32 to index
        %swap3A_651 = arith.constant 32 : index
        %swap3A_652 = tpu.vector_load %arg10[%swap3A_649, %swap3A_650, %swap3A_651] {strides = array<i32>} : memref<2x80x128xf32, #tpu.memory_space<vmem>>, vector<16xf32>,
        tpu.vector_store %arg10[%swap3A_649, %swap3A_650, %swap3A_651], %mul3A_648 {strides = array<i32>} : memref<2x80x128xf32, #tpu.memory_space<vmem>>, vector<16xf32>,
        %get3A_653 = arith.index_cast %rem3A_72 : i32 to index
        %get3A_654 = arith.index_cast %scan3A_620 : i32 to index
        %get3A_655 = arith.constant 48 : index
        %get3A_656 = tpu.vector_load %arg10[%get3A_653, %get3A_654, %get3A_655] {strides = array<i32>} : memref<2x80x128xf32, #tpu.memory_space<vmem>>, vector<16xf32>,
        %mul3A_657 = arith.mulf %get3A_656, %gather3A_625 : vector<16xf32>
        %swap3A_658 = arith.index_cast %rem3A_72 : i32 to index
        %swap3A_659 = arith.index_cast %scan3A_620 : i32 to index
        %swap3A_660 = arith.constant 48 : index
        %swap3A_661 = tpu.vector_load %arg10[%swap3A_658, %swap3A_659, %swap3A_660] {strides = array<i32>} : memref<2x80x128xf32, #tpu.memory_space<vmem>>, vector<16xf32>,
        tpu.vector_store %arg10[%swap3A_658, %swap3A_659, %swap3A_660], %mul3A_657 {strides = array<i32>} : memref<2x80x128xf32, #tpu.memory_space<vmem>>, vector<16xf32>,
        %get3A_662 = arith.index_cast %rem3A_72 : i32 to index
        %get3A_663 = arith.index_cast %scan3A_620 : i32 to index
        %get3A_664 = arith.constant 64 : index
        %get3A_665 = tpu.vector_load %arg10[%get3A_662, %get3A_663, %get3A_664] {strides = array<i32>} : memref<2x80x128xf32, #tpu.memory_space<vmem>>, vector<16xf32>,
        %mul3A_666 = arith.mulf %get3A_665, %gather3A_625 : vector<16xf32>
        %swap3A_667 = arith.index_cast %rem3A_72 : i32 to index
        %swap3A_668 = arith.index_cast %scan3A_620 : i32 to index
        %swap3A_669 = arith.constant 64 : index
        %swap3A_670 = tpu.vector_load %arg10[%swap3A_667, %swap3A_668, %swap3A_669] {strides = array<i32>} : memref<2x80x128xf32, #tpu.memory_space<vmem>>, vector<16xf32>,
        tpu.vector_store %arg10[%swap3A_667, %swap3A_668, %swap3A_669], %mul3A_666 {strides = array<i32>} : memref<2x80x128xf32, #tpu.memory_space<vmem>>, vector<16xf32>,
        %get3A_671 = arith.index_cast %rem3A_72 : i32 to index
        %get3A_672 = arith.index_cast %scan3A_620 : i32 to index
        %get3A_673 = arith.constant 80 : index
        %get3A_674 = tpu.vector_load %arg10[%get3A_671, %get3A_672, %get3A_673] {strides = array<i32>} : memref<2x80x128xf32, #tpu.memory_space<vmem>>, vector<16xf32>,
        %mul3A_675 = arith.mulf %get3A_674, %gather3A_625 : vector<16xf32>
        %swap3A_676 = arith.index_cast %rem3A_72 : i32 to index
        %swap3A_677 = arith.index_cast %scan3A_620 : i32 to index
        %swap3A_678 = arith.constant 80 : index
        %swap3A_679 = tpu.vector_load %arg10[%swap3A_676, %swap3A_677, %swap3A_678] {strides = array<i32>} : memref<2x80x128xf32, #tpu.memory_space<vmem>>, vector<16xf32>,
        tpu.vector_store %arg10[%swap3A_676, %swap3A_677, %swap3A_678], %mul3A_675 {strides = array<i32>} : memref<2x80x128xf32, #tpu.memory_space<vmem>>, vector<16xf32>,
        %get3A_680 = arith.index_cast %rem3A_72 : i32 to index
        %get3A_681 = arith.index_cast %scan3A_620 : i32 to index
        %get3A_682 = arith.constant 96 : index
        %get3A_683 = tpu.vector_load %arg10[%get3A_680, %get3A_681, %get3A_682] {strides = array<i32>} : memref<2x80x128xf32, #tpu.memory_space<vmem>>, vector<16xf32>,
        %mul3A_684 = arith.mulf %get3A_683, %gather3A_625 : vector<16xf32>
        %swap3A_685 = arith.index_cast %rem3A_72 : i32 to index
        %swap3A_686 = arith.index_cast %scan3A_620 : i32 to index
        %swap3A_687 = arith.constant 96 : index
        %swap3A_688 = tpu.vector_load %arg10[%swap3A_685, %swap3A_686, %swap3A_687] {strides = array<i32>} : memref<2x80x128xf32, #tpu.memory_space<vmem>>, vector<16xf32>,
        tpu.vector_store %arg10[%swap3A_685, %swap3A_686, %swap3A_687], %mul3A_684 {strides = array<i32>} : memref<2x80x128xf32, #tpu.memory_space<vmem>>, vector<16xf32>,
        %get3A_689 = arith.index_cast %rem3A_72 : i32 to index
        %get3A_690 = arith.index_cast %scan3A_620 : i32 to index
        %get3A_691 = arith.constant 112 : index
        %get3A_692 = tpu.vector_load %arg10[%get3A_689, %get3A_690, %get3A_691] {strides = array<i32>} : memref<2x80x128xf32, #tpu.memory_space<vmem>>, vector<16xf32>,
        %mul3A_693 = arith.mulf %get3A_692, %gather3A_625 : vector<16xf32>
        %swap3A_694 = arith.index_cast %rem3A_72 : i32 to index
        %swap3A_695 = arith.index_cast %scan3A_620 : i32 to index
        %swap3A_696 = arith.constant 112 : index
        %swap3A_697 = tpu.vector_load %arg10[%swap3A_694, %swap3A_695, %swap3A_696] {strides = array<i32>} : memref<2x80x128xf32, #tpu.memory_space<vmem>>, vector<16xf32>,
        tpu.vector_store %arg10[%swap3A_694, %swap3A_695, %swap3A_696], %mul3A_693 {strides = array<i32>} : memref<2x80x128xf32, #tpu.memory_space<vmem>>, vector<16xf32>,
        %scan3A_698 = arith.constant 0 : i32
        %scan3A_699 = arith.constant 7 : i32
        %scan3A_700 = arith.addi %scan3A_140, %scan3A_699 : i32
        %mul3A_701 = arith.constant 80 : i32
        %mul3A_702 = arith.muli %scan3A_70, %mul3A_701 : i32
        %add3A_703 = arith.addi %mul3A_702, %scan3A_700 : i32
        %broadcast_in_dim3A_704 = vector.broadcast %add3A_703 : i32 to vector<16xi32>
        %gather3A_705 = tpu.vector_load_idx %arg9[%broadcast_in_dim3A_704] : memref<10000xf32, #tpu.memory_space<vmem>>[vector<16xi32>], vector<16xf32>,
        %get3A_706 = arith.index_cast %rem3A_72 : i32 to index
        %get3A_707 = arith.index_cast %scan3A_700 : i32 to index
        %get3A_708 = arith.constant 0 : index
        %get3A_709 = tpu.vector_load %arg10[%get3A_706, %get3A_707, %get3A_708] {strides = array<i32>} : memref<2x80x128xf32, #tpu.memory_space<vmem>>, vector<16xf32>,
        %mul3A_710 = arith.mulf %get3A_709, %gather3A_705 : vector<16xf32>
        %swap3A_711 = arith.index_cast %rem3A_72 : i32 to index
        %swap3A_712 = arith.index_cast %scan3A_700 : i32 to index
        %swap3A_713 = arith.constant 0 : index
        %swap3A_714 = tpu.vector_load %arg10[%swap3A_711, %swap3A_712, %swap3A_713] {strides = array<i32>} : memref<2x80x128xf32, #tpu.memory_space<vmem>>, vector<16xf32>,
        tpu.vector_store %arg10[%swap3A_711, %swap3A_712, %swap3A_713], %mul3A_710 {strides = array<i32>} : memref<2x80x128xf32, #tpu.memory_space<vmem>>, vector<16xf32>,
        %get3A_715 = arith.index_cast %rem3A_72 : i32 to index
        %get3A_716 = arith.index_cast %scan3A_700 : i32 to index
        %get3A_717 = arith.constant 16 : index
        %get3A_718 = tpu.vector_load %arg10[%get3A_715, %get3A_716, %get3A_717] {strides = array<i32>} : memref<2x80x128xf32, #tpu.memory_space<vmem>>, vector<16xf32>,
        %mul3A_719 = arith.mulf %get3A_718, %gather3A_705 : vector<16xf32>
        %swap3A_720 = arith.index_cast %rem3A_72 : i32 to index
        %swap3A_721 = arith.index_cast %scan3A_700 : i32 to index
        %swap3A_722 = arith.constant 16 : index
        %swap3A_723 = tpu.vector_load %arg10[%swap3A_720, %swap3A_721, %swap3A_722] {strides = array<i32>} : memref<2x80x128xf32, #tpu.memory_space<vmem>>, vector<16xf32>,
        tpu.vector_store %arg10[%swap3A_720, %swap3A_721, %swap3A_722], %mul3A_719 {strides = array<i32>} : memref<2x80x128xf32, #tpu.memory_space<vmem>>, vector<16xf32>,
        %get3A_724 = arith.index_cast %rem3A_72 : i32 to index
        %get3A_725 = arith.index_cast %scan3A_700 : i32 to index
        %get3A_726 = arith.constant 32 : index
        %get3A_727 = tpu.vector_load %arg10[%get3A_724, %get3A_725, %get3A_726] {strides = array<i32>} : memref<2x80x128xf32, #tpu.memory_space<vmem>>, vector<16xf32>,
        %mul3A_728 = arith.mulf %get3A_727, %gather3A_705 : vector<16xf32>
        %swap3A_729 = arith.index_cast %rem3A_72 : i32 to index
        %swap3A_730 = arith.index_cast %scan3A_700 : i32 to index
        %swap3A_731 = arith.constant 32 : index
        %swap3A_732 = tpu.vector_load %arg10[%swap3A_729, %swap3A_730, %swap3A_731] {strides = array<i32>} : memref<2x80x128xf32, #tpu.memory_space<vmem>>, vector<16xf32>,
        tpu.vector_store %arg10[%swap3A_729, %swap3A_730, %swap3A_731], %mul3A_728 {strides = array<i32>} : memref<2x80x128xf32, #tpu.memory_space<vmem>>, vector<16xf32>,
        %get3A_733 = arith.index_cast %rem3A_72 : i32 to index
        %get3A_734 = arith.index_cast %scan3A_700 : i32 to index
        %get3A_735 = arith.constant 48 : index
        %get3A_736 = tpu.vector_load %arg10[%get3A_733, %get3A_734, %get3A_735] {strides = array<i32>} : memref<2x80x128xf32, #tpu.memory_space<vmem>>, vector<16xf32>,
        %mul3A_737 = arith.mulf %get3A_736, %gather3A_705 : vector<16xf32>
        %swap3A_738 = arith.index_cast %rem3A_72 : i32 to index
        %swap3A_739 = arith.index_cast %scan3A_700 : i32 to index
        %swap3A_740 = arith.constant 48 : index
        %swap3A_741 = tpu.vector_load %arg10[%swap3A_738, %swap3A_739, %swap3A_740] {strides = array<i32>} : memref<2x80x128xf32, #tpu.memory_space<vmem>>, vector<16xf32>,
        tpu.vector_store %arg10[%swap3A_738, %swap3A_739, %swap3A_740], %mul3A_737 {strides = array<i32>} : memref<2x80x128xf32, #tpu.memory_space<vmem>>, vector<16xf32>,
        %get3A_742 = arith.index_cast %rem3A_72 : i32 to index
        %get3A_743 = arith.index_cast %scan3A_700 : i32 to index
        %get3A_744 = arith.constant 64 : index
        %get3A_745 = tpu.vector_load %arg10[%get3A_742, %get3A_743, %get3A_744] {strides = array<i32>} : memref<2x80x128xf32, #tpu.memory_space<vmem>>, vector<16xf32>,
        %mul3A_746 = arith.mulf %get3A_745, %gather3A_705 : vector<16xf32>
        %swap3A_747 = arith.index_cast %rem3A_72 : i32 to index
        %swap3A_748 = arith.index_cast %scan3A_700 : i32 to index
        %swap3A_749 = arith.constant 64 : index
        %swap3A_750 = tpu.vector_load %arg10[%swap3A_747, %swap3A_748, %swap3A_749] {strides = array<i32>} : memref<2x80x128xf32, #tpu.memory_space<vmem>>, vector<16xf32>,
        tpu.vector_store %arg10[%swap3A_747, %swap3A_748, %swap3A_749], %mul3A_746 {strides = array<i32>} : memref<2x80x128xf32, #tpu.memory_space<vmem>>, vector<16xf32>,
        %get3A_751 = arith.index_cast %rem3A_72 : i32 to index
        %get3A_752 = arith.index_cast %scan3A_700 : i32 to index
        %get3A_753 = arith.constant 80 : index
        %get3A_754 = tpu.vector_load %arg10[%get3A_751, %get3A_752, %get3A_753] {strides = array<i32>} : memref<2x80x128xf32, #tpu.memory_space<vmem>>, vector<16xf32>,
        %mul3A_755 = arith.mulf %get3A_754, %gather3A_705 : vector<16xf32>
        %swap3A_756 = arith.index_cast %rem3A_72 : i32 to index
        %swap3A_757 = arith.index_cast %scan3A_700 : i32 to index
        %swap3A_758 = arith.constant 80 : index
        %swap3A_759 = tpu.vector_load %arg10[%swap3A_756, %swap3A_757, %swap3A_758] {strides = array<i32>} : memref<2x80x128xf32, #tpu.memory_space<vmem>>, vector<16xf32>,
        tpu.vector_store %arg10[%swap3A_756, %swap3A_757, %swap3A_758], %mul3A_755 {strides = array<i32>} : memref<2x80x128xf32, #tpu.memory_space<vmem>>, vector<16xf32>,
        %get3A_760 = arith.index_cast %rem3A_72 : i32 to index
        %get3A_761 = arith.index_cast %scan3A_700 : i32 to index
        %get3A_762 = arith.constant 96 : index
        %get3A_763 = tpu.vector_load %arg10[%get3A_760, %get3A_761, %get3A_762] {strides = array<i32>} : memref<2x80x128xf32, #tpu.memory_space<vmem>>, vector<16xf32>,
        %mul3A_764 = arith.mulf %get3A_763, %gather3A_705 : vector<16xf32>
        %swap3A_765 = arith.index_cast %rem3A_72 : i32 to index
        %swap3A_766 = arith.index_cast %scan3A_700 : i32 to index
        %swap3A_767 = arith.constant 96 : index
        %swap3A_768 = tpu.vector_load %arg10[%swap3A_765, %swap3A_766, %swap3A_767] {strides = array<i32>} : memref<2x80x128xf32, #tpu.memory_space<vmem>>, vector<16xf32>,
        tpu.vector_store %arg10[%swap3A_765, %swap3A_766, %swap3A_767], %mul3A_764 {strides = array<i32>} : memref<2x80x128xf32, #tpu.memory_space<vmem>>, vector<16xf32>,
        %get3A_769 = arith.index_cast %rem3A_72 : i32 to index
        %get3A_770 = arith.index_cast %scan3A_700 : i32 to index
        %get3A_771 = arith.constant 112 : index
        %get3A_772 = tpu.vector_load %arg10[%get3A_769, %get3A_770, %get3A_771] {strides = array<i32>} : memref<2x80x128xf32, #tpu.memory_space<vmem>>, vector<16xf32>,
        %mul3A_773 = arith.mulf %get3A_772, %gather3A_705 : vector<16xf32>
        %swap3A_774 = arith.index_cast %rem3A_72 : i32 to index
        %swap3A_775 = arith.index_cast %scan3A_700 : i32 to index
        %swap3A_776 = arith.constant 112 : index
        %swap3A_777 = tpu.vector_load %arg10[%swap3A_774, %swap3A_775, %swap3A_776] {strides = array<i32>} : memref<2x80x128xf32, #tpu.memory_space<vmem>>, vector<16xf32>,
        tpu.vector_store %arg10[%swap3A_774, %swap3A_775, %swap3A_776], %mul3A_773 {strides = array<i32>} : memref<2x80x128xf32, #tpu.memory_space<vmem>>, vector<16xf32>,
        %scan3A_778 = arith.constant 0 : i32
        scf.yield %scan3A_778 : i32
      }
      %scan3A_95 = arith.constant 80 : i32
      %mul3A_96 = arith.constant 80 : i32
      %mul3A_97 = arith.muli %scan3A_70, %mul3A_96 : i32
      %add3A_98 = arith.constant 0 : i32
      %add3A_99 = arith.addi %mul3A_97, %add3A_98 : i32
      %get3A = arith.index_cast %add3A_99 : i32 to index
      %get3A_100 = tpu.vector_load %arg8[%get3A] {strides = array<i32>} : memref<10000xi32, #tpu.memory_space<vmem>>, vector<16xi32>,
      %swap3A = arith.index_cast %rem3A_72 : i32 to index
      %swap3A_101 = arith.constant 0 : index
      %swap3A_102 = tpu.vector_load %arg11[%swap3A, %swap3A_101] {strides = array<i32>} : memref<2x80xi32, #tpu.memory_space<vmem>>, vector<16xi32>,
      tpu.vector_store %arg11[%swap3A, %swap3A_101], %get3A_100 {strides = array<i32>} : memref<2x80xi32, #tpu.memory_space<vmem>>, vector<16xi32>,
      %mul3A_103 = arith.constant 80 : i32
      %mul3A_104 = arith.muli %scan3A_70, %mul3A_103 : i32
      %add3A_105 = arith.constant 16 : i32
      %add3A_106 = arith.addi %mul3A_104, %add3A_105 : i32
      %get3A_107 = arith.index_cast %add3A_106 : i32 to index
      %get3A_108 = tpu.vector_load %arg8[%get3A_107] {strides = array<i32>} : memref<10000xi32, #tpu.memory_space<vmem>>, vector<16xi32>,
      %swap3A_109 = arith.index_cast %rem3A_72 : i32 to index
      %swap3A_110 = arith.constant 16 : index
      %swap3A_111 = tpu.vector_load %arg11[%swap3A_109, %swap3A_110] {strides = array<i32>} : memref<2x80xi32, #tpu.memory_space<vmem>>, vector<16xi32>,
      tpu.vector_store %arg11[%swap3A_109, %swap3A_110], %get3A_108 {strides = array<i32>} : memref<2x80xi32, #tpu.memory_space<vmem>>, vector<16xi32>,
      %mul3A_112 = arith.constant 80 : i32
      %mul3A_113 = arith.muli %scan3A_70, %mul3A_112 : i32
      %add3A_114 = arith.constant 32 : i32
      %add3A_115 = arith.addi %mul3A_113, %add3A_114 : i32
      %get3A_116 = arith.index_cast %add3A_115 : i32 to index
      %get3A_117 = tpu.vector_load %arg8[%get3A_116] {strides = array<i32>} : memref<10000xi32, #tpu.memory_space<vmem>>, vector<16xi32>,
      %swap3A_118 = arith.index_cast %rem3A_72 : i32 to index
      %swap3A_119 = arith.constant 32 : index
      %swap3A_120 = tpu.vector_load %arg11[%swap3A_118, %swap3A_119] {strides = array<i32>} : memref<2x80xi32, #tpu.memory_space<vmem>>, vector<16xi32>,
      tpu.vector_store %arg11[%swap3A_118, %swap3A_119], %get3A_117 {strides = array<i32>} : memref<2x80xi32, #tpu.memory_space<vmem>>, vector<16xi32>,
      %mul3A_121 = arith.constant 80 : i32
      %mul3A_122 = arith.muli %scan3A_70, %mul3A_121 : i32
      %add3A_123 = arith.constant 48 : i32
      %add3A_124 = arith.addi %mul3A_122, %add3A_123 : i32
      %get3A_125 = arith.index_cast %add3A_124 : i32 to index
      %get3A_126 = tpu.vector_load %arg8[%get3A_125] {strides = array<i32>} : memref<10000xi32, #tpu.memory_space<vmem>>, vector<16xi32>,
      %swap3A_127 = arith.index_cast %rem3A_72 : i32 to index
      %swap3A_128 = arith.constant 48 : index
      %swap3A_129 = tpu.vector_load %arg11[%swap3A_127, %swap3A_128] {strides = array<i32>} : memref<2x80xi32, #tpu.memory_space<vmem>>, vector<16xi32>,
      tpu.vector_store %arg11[%swap3A_127, %swap3A_128], %get3A_126 {strides = array<i32>} : memref<2x80xi32, #tpu.memory_space<vmem>>, vector<16xi32>,
      %mul3A_130 = arith.constant 80 : i32
      %mul3A_131 = arith.muli %scan3A_70, %mul3A_130 : i32
      %add3A_132 = arith.constant 64 : i32
      %add3A_133 = arith.addi %mul3A_131, %add3A_132 : i32
      %get3A_134 = arith.index_cast %add3A_133 : i32 to index
      %get3A_135 = tpu.vector_load %arg8[%get3A_134] {strides = array<i32>} : memref<10000xi32, #tpu.memory_space<vmem>>, vector<16xi32>,
      %swap3A_136 = arith.index_cast %rem3A_72 : i32 to index
      %swap3A_137 = arith.constant 64 : index
      %swap3A_138 = tpu.vector_load %arg11[%swap3A_136, %swap3A_137] {strides = array<i32>} : memref<2x80xi32, #tpu.memory_space<vmem>>, vector<16xi32>,
      tpu.vector_store %arg11[%swap3A_136, %swap3A_137], %get3A_135 {strides = array<i32>} : memref<2x80xi32, #tpu.memory_space<vmem>>, vector<16xi32>,
      "tpu.region"() ({
        %run_scoped3A_140 = tpu.sem_alloc : memref<!tpu.dma_semaphore, #tpu.memory_space<semaphore_mem>>
        %dma_start3A_141 = arith.constant 0 : i32
        %dma_start3A_142 = arith.constant 0 : i32
        %dma_start3A_143 = tpu.memref_slice %arg10[%rem3A_72, %dma_start3A_141, %dma_start3A_142] : memref<2x80x128xf32, #tpu.memory_space<vmem>> -> memref<1x80x128xf32, #tpu.memory_space<vmem>>
        %dma_start3A_144 = tpu.memref_squeeze %dma_start3A_143 : memref<1x80x128xf32, #tpu.memory_space<vmem>> -> memref<80x128xf32, #tpu.memory_space<vmem>>
        %dma_start3A_145 = arith.constant 0 : i32
        %dma_start3A_146 = tpu.memref_slice %arg11[%rem3A_72, %dma_start3A_145] : memref<2x80xi32, #tpu.memory_space<vmem>> -> memref<1x80xi32, #tpu.memory_space<vmem>>
        %dma_start3A_147 = tpu.memref_squeeze %dma_start3A_146 : memref<1x80xi32, #tpu.memory_space<vmem>> -> memref<80xi32, #tpu.memory_space<vmem>>
        %dma_start3A_148 = arith.constant 0 : i32
        %dma_start3A_149 = arith.constant 0 : i32
        %dma_start3A_150 = tpu.memref_slice %arg13[%dma_start3A_148, %dma_start3A_149] : memref<10000x128xf32, #tpu.memory_space<vmem_shared>> -> memref<10000x128xf32, #tpu.memory_space<vmem_shared>>
        tpu.enqueue_indirect_dma source(%dma_start3A_144 : memref<80x128xf32, #tpu.memory_space<vmem>>) target(%dma_start3A_150 : memref<10000x128xf32, #tpu.memory_space<vmem_shared>>) offsets(%dma_start3A_147 : memref<80xi32, #tpu.memory_space<vmem>>) semaphore(%run_scoped3A_140 : memref<!tpu.dma_semaphore, #tpu.memory_space<semaphore_mem>>) {add = true}
        %dma_wait3A_151 = arith.constant 0 : i32
        %dma_wait3A_152 = arith.constant 0 : i32
        %dma_wait3A_153 = tpu.memref_slice %arg10[%rem3A_72, %dma_wait3A_151, %dma_wait3A_152] : memref<2x80x128xf32, #tpu.memory_space<vmem>> -> memref<1x80x128xf32, #tpu.memory_space<vmem>>
        %dma_wait3A_154 = tpu.memref_squeeze %dma_wait3A_153 : memref<1x80x128xf32, #tpu.memory_space<vmem>> -> memref<80x128xf32, #tpu.memory_space<vmem>>
        %dma_wait3A_155 = arith.constant 0 : i32
        %dma_wait3A_156 = tpu.memref_slice %arg11[%rem3A_72, %dma_wait3A_155] : memref<2x80xi32, #tpu.memory_space<vmem>> -> memref<1x80xi32, #tpu.memory_space<vmem>>
        %dma_wait3A_157 = tpu.memref_squeeze %dma_wait3A_156 : memref<1x80xi32, #tpu.memory_space<vmem>> -> memref<80xi32, #tpu.memory_space<vmem>>
        %dma_wait3A_158 = arith.constant 0 : i32
        %dma_wait3A_159 = arith.constant 0 : i32
        %dma_wait3A_160 = tpu.memref_slice %arg13[%dma_wait3A_158, %dma_wait3A_159] : memref<10000x128xf32, #tpu.memory_space<vmem_shared>> -> memref<10000x128xf32, #tpu.memory_space<vmem_shared>>
        tpu.wait_indirect_dma semaphore(%run_scoped3A_140 : memref<!tpu.dma_semaphore, #tpu.memory_space<semaphore_mem>>) src(%dma_wait3A_154 : memref<80x128xf32, #tpu.memory_space<vmem>>) dst(%dma_wait3A_160 : memref<10000x128xf32, #tpu.memory_space<vmem_shared>>)
        tpu.yield
      }) : () -> ()
      %scan3A_139 = arith.constant 0 : i32
      scf.yield %scan3A_139 : i32
    }
    %scan3A_63 = arith.constant 125 : i32
    %barrier3A_64 = arith.constant 0 : index
    tpu.barrier barrier_id(%barrier3A_64)
    "tpu.region"() ({
      %run_scoped3A_70 = tpu.sem_alloc : memref<!tpu.dma_semaphore, #tpu.memory_space<semaphore_mem>>
      %dma_start3A_71 = arith.constant 0 : i32
      %dma_start3A_72 = tpu.memref_slice %arg6[%arg0, %mul3A_16, %dma_start3A_71] : memref<2x10000x128xf32, #tpu.memory_space<hbm>> -> memref<1x624x128xf32, #tpu.memory_space<hbm>>
      %dma_start3A_73 = tpu.memref_squeeze %dma_start3A_72 : memref<1x624x128xf32, #tpu.memory_space<hbm>> -> memref<624x128xf32, #tpu.memory_space<hbm>>
      %dma_start3A_74 = arith.constant 0 : i32
      %dma_start3A_75 = tpu.memref_slice %arg13[%mul3A_16, %dma_start3A_74] : memref<10000x128xf32, #tpu.memory_space<vmem_shared>> -> memref<624x128xf32, #tpu.memory_space<vmem_shared>>
      tpu.enqueue_dma source(%dma_start3A_75 : memref<624x128xf32, #tpu.memory_space<vmem_shared>>) target(%dma_start3A_73 : memref<624x128xf32, #tpu.memory_space<hbm>>) target_semaphore(%run_scoped3A_70 : memref<!tpu.dma_semaphore, #tpu.memory_space<semaphore_mem>>)
      %dma_wait3A_76 = arith.constant 0 : i32
      %dma_wait3A_77 = tpu.memref_slice %arg6[%arg0, %mul3A_16, %dma_wait3A_76] : memref<2x10000x128xf32, #tpu.memory_space<hbm>> -> memref<1x624x128xf32, #tpu.memory_space<hbm>>
      %dma_wait3A_78 = tpu.memref_squeeze %dma_wait3A_77 : memref<1x624x128xf32, #tpu.memory_space<hbm>> -> memref<624x128xf32, #tpu.memory_space<hbm>>
      %dma_wait3A_79 = arith.constant 0 : i32
      %dma_wait3A_80 = tpu.memref_slice %arg13[%mul3A_16, %dma_wait3A_79] : memref<10000x128xf32, #tpu.memory_space<vmem_shared>> -> memref<624x128xf32, #tpu.memory_space<vmem_shared>>
      tpu.wait_dma2 semaphore(%run_scoped3A_70 : memref<!tpu.dma_semaphore, #tpu.memory_space<semaphore_mem>>) src(%dma_wait3A_80 : memref<624x128xf32, #tpu.memory_space<vmem_shared>>) dst(%dma_wait3A_78 : memref<624x128xf32, #tpu.memory_space<hbm>>)
      tpu.yield
    }) : () -> ()
    %eq3A_65 = arith.constant 0 : i32
    %eq3A_66 = arith.cmpi eq, %arg1, %eq3A_65 : i32
    %convert_element_type3A_67 = arith.extui %eq3A_66 : i1 to i32
    %cond3A_68 = arith.constant 0 : i32
    %cond3A_69 = arith.cmpi ne, %convert_element_type3A_67, %cond3A_68 : i32
    scf.if %cond3A_69 {
      "tpu.region"() ({
        %run_scoped3A_70 = tpu.sem_alloc : memref<!tpu.dma_semaphore, #tpu.memory_space<semaphore_mem>>
        %dma_start3A_71 = arith.constant 9984 : i32
        %dma_start3A_72 = arith.constant 0 : i32
        %dma_start3A_73 = tpu.memref_slice %arg6[%arg0, %dma_start3A_71, %dma_start3A_72] : memref<2x10000x128xf32, #tpu.memory_space<hbm>> -> memref<1x16x128xf32, #tpu.memory_space<hbm>>
        %dma_start3A_74 = tpu.memref_squeeze %dma_start3A_73 : memref<1x16x128xf32, #tpu.memory_space<hbm>> -> memref<16x128xf32, #tpu.memory_space<hbm>>
        %dma_start3A_75 = arith.constant 9984 : i32
        %dma_start3A_76 = arith.constant 0 : i32
        %dma_start3A_77 = tpu.memref_slice %arg13[%dma_start3A_75, %dma_start3A_76] : memref<10000x128xf32, #tpu.memory_space<vmem_shared>> -> memref<16x128xf32, #tpu.memory_space<vmem_shared>>
        tpu.enqueue_dma source(%dma_start3A_77 : memref<16x128xf32, #tpu.memory_space<vmem_shared>>) target(%dma_start3A_74 : memref<16x128xf32, #tpu.memory_space<hbm>>) target_semaphore(%run_scoped3A_70 : memref<!tpu.dma_semaphore, #tpu.memory_space<semaphore_mem>>)
        %dma_wait3A_78 = arith.constant 9984 : i32
        %dma_wait3A_79 = arith.constant 0 : i32
        %dma_wait3A_80 = tpu.memref_slice %arg6[%arg0, %dma_wait3A_78, %dma_wait3A_79] : memref<2x10000x128xf32, #tpu.memory_space<hbm>> -> memref<1x16x128xf32, #tpu.memory_space<hbm>>
        %dma_wait3A_81 = tpu.memref_squeeze %dma_wait3A_80 : memref<1x16x128xf32, #tpu.memory_space<hbm>> -> memref<16x128xf32, #tpu.memory_space<hbm>>
        %dma_wait3A_82 = arith.constant 9984 : i32
        %dma_wait3A_83 = arith.constant 0 : i32
        %dma_wait3A_84 = tpu.memref_slice %arg13[%dma_wait3A_82, %dma_wait3A_83] : memref<10000x128xf32, #tpu.memory_space<vmem_shared>> -> memref<16x128xf32, #tpu.memory_space<vmem_shared>>
        tpu.wait_dma2 semaphore(%run_scoped3A_70 : memref<!tpu.dma_semaphore, #tpu.memory_space<semaphore_mem>>) src(%dma_wait3A_84 : memref<16x128xf32, #tpu.memory_space<vmem_shared>>) dst(%dma_wait3A_81 : memref<16x128xf32, #tpu.memory_space<hbm>>)
        tpu.yield
      }) : () -> ()
    } else {
    }
    return
  }
}

module attributes {stable_mosaic.version = 14 : i64} {
  func.func @_feats_body(%arg0: i32, %arg1: memref<2000x128xf32, #tpu.memory_space<vmem>>, %arg2: memref<128x128xf32, #tpu.memory_space<vmem>>, %arg3: memref<2000x128xf32, #tpu.memory_space<vmem>>) attributes {dimension_semantics = [#tpu.dimension_semantics<arbitrary>], iteration_bounds = array<i64: 5>, scalar_prefetch = 0 : i64, scratch_operands = 0 : i64, tpu.core_type = #tpu.core_type<tc>, window_params = [{transform_indices = @transform_0, window_bounds = array<i64: 2000, 128>}, {pipeline_mode = #tpu.pipeline_mode<synchronous>, transform_indices = @transform_1, window_bounds = array<i64: 128, 128>}, {transform_indices = @transform_2, window_bounds = array<i64: 2000, 128>}]} {
    %get3A = arith.constant 0 : index
    %get3A_0 = arith.constant 0 : index
    %get3A_1 = vector.load %arg1[%get3A, %get3A_0] : memref<2000x128xf32, #tpu.memory_space<vmem>>, vector<2000x128xf32>
    %get3A_2 = arith.constant 0 : index
    %get3A_3 = arith.constant 0 : index
    %get3A_4 = vector.load %arg2[%get3A_2, %get3A_3] : memref<128x128xf32, #tpu.memory_space<vmem>>, vector<128x128xf32>
    %dot_general3A = arith.constant dense<0.000000e+00> : vector<2000x128xf32>
    %dot_general3A_5 = tpu.matmul %get3A_1, %get3A_4, %dot_general3A {dimension_numbers = #tpu.dot_dimension_numbers<[1], [0], [0], [1], [0, 0, 1, 1], [], []>, transpose_lhs_hint = false} : vector<2000x128xf32>, vector<128x128xf32>, vector<2000x128xf32> -> vector<2000x128xf32>
    %swap3A = arith.constant 0 : index
    %swap3A_6 = arith.constant 0 : index
    %swap3A_7 = vector.load %arg3[%swap3A, %swap3A_6] : memref<2000x128xf32, #tpu.memory_space<vmem>>, vector<2000x128xf32>
    tpu.vector_store %arg3[%swap3A, %swap3A_6], %dot_general3A_5 {strides = array<i32>} : memref<2000x128xf32, #tpu.memory_space<vmem>>, vector<2000x128xf32>,
    return
  }
  func.func @transform_0(%arg0: i32) -> (i32, i32) {
    %c0_i32 = arith.constant 0 : i32
    %c0_i32_0 = arith.constant 0 : i32
    return %arg0, %c0_i32 : i32, i32
  }
  func.func @transform_1(%arg0: i32) -> (i32, i32) {
    %c0_i32 = arith.constant 0 : i32
    %c0_i32_0 = arith.constant 0 : i32
    %c0_i32_1 = arith.constant 0 : i32
    return %c0_i32, %c0_i32_0 : i32, i32
  }
  func.func @transform_2(%arg0: i32) -> (i32, i32) {
    %c0_i32 = arith.constant 0 : i32
    %c0_i32_0 = arith.constant 0 : i32
    return %arg0, %c0_i32 : i32, i32
  }
}

module attributes {stable_mosaic.version = 14 : i64} {
  func.func @_edge_scalar_body(%arg0: i32, %arg1: memref<16x16000xf32, #tpu.memory_space<vmem>>, %arg2: memref<8x16000xf32, #tpu.memory_space<vmem>>, %arg3: memref<8x8xf32, #tpu.memory_space<vmem>>, %arg4: memref<8x1xf32, #tpu.memory_space<vmem>>, %arg5: memref<16x8xf32, #tpu.memory_space<vmem>>, %arg6: memref<320000xf32, #tpu.memory_space<vmem>>) attributes {dimension_semantics = [#tpu.dimension_semantics<arbitrary>], iteration_bounds = array<i64: 20>, scalar_prefetch = 0 : i64, scratch_operands = 0 : i64, tpu.core_type = #tpu.core_type<tc>, window_params = [{transform_indices = @transform_0, window_bounds = array<i64: 16, 16000>}, {transform_indices = @transform_1, window_bounds = array<i64: 8, 16000>}, {pipeline_mode = #tpu.pipeline_mode<synchronous>, transform_indices = @transform_2, window_bounds = array<i64: 8, 8>}, {pipeline_mode = #tpu.pipeline_mode<synchronous>, transform_indices = @transform_3, window_bounds = array<i64: 8, 1>}, {pipeline_mode = #tpu.pipeline_mode<synchronous>, transform_indices = @transform_4, window_bounds = array<i64: 16, 8>}, {pipeline_mode = #tpu.pipeline_mode<synchronous>, transform_indices = @transform_5, window_bounds = array<i64: 320000>}]} {
    %get3A = arith.constant 0 : index
    %get3A_0 = arith.constant 0 : index
    %get3A_1 = vector.load %arg3[%get3A, %get3A_0] : memref<8x8xf32, #tpu.memory_space<vmem>>, vector<8x8xf32>
    %get3A_2 = arith.constant 0 : index
    %get3A_3 = arith.constant 0 : index
    %get3A_4 = vector.load %arg2[%get3A_2, %get3A_3] : memref<8x16000xf32, #tpu.memory_space<vmem>>, vector<8x16000xf32>
    %dot_general3A = arith.constant dense<0.000000e+00> : vector<8x16000xf32>
    %dot_general3A_5 = tpu.matmul %get3A_1, %get3A_4, %dot_general3A {dimension_numbers = #tpu.dot_dimension_numbers<[1], [0], [0], [1], [0, 0, 1, 1], [], []>, transpose_lhs_hint = false} : vector<8x8xf32>, vector<8x16000xf32>, vector<8x16000xf32> -> vector<8x16000xf32>
    %get3A_6 = arith.constant 0 : index
    %get3A_7 = arith.constant 0 : index
    %get3A_8 = vector.load %arg4[%get3A_6, %get3A_7] : memref<8x1xf32, #tpu.memory_space<vmem>>, vector<8x1xf32>
    %add3A = vector.broadcast %get3A_8 : vector<8x1xf32> to vector<8x16000xf32>
    %add3A_9 = arith.addf %dot_general3A_5, %add3A : vector<8x16000xf32>
    %logistic3A = arith.negf %add3A_9 : vector<8x16000xf32>
    %logistic3A_10 = math.exp %logistic3A : vector<8x16000xf32>
    %logistic3A_11 = arith.constant 1.000000e+00 : f32
    %logistic3A_12 = vector.broadcast %logistic3A_11 : f32 to vector<8x16000xf32>
    %logistic3A_13 = arith.addf %logistic3A_12, %logistic3A_10 : vector<8x16000xf32>
    %logistic3A_14 = arith.divf %logistic3A_12, %logistic3A_13 : vector<8x16000xf32>
    %mul3A = arith.mulf %add3A_9, %logistic3A_14 : vector<8x16000xf32>
    %get3A_15 = arith.constant 0 : index
    %get3A_16 = arith.constant 0 : index
    %get3A_17 = vector.load %arg5[%get3A_15, %get3A_16] : memref<16x8xf32, #tpu.memory_space<vmem>>, vector<16x8xf32>
    %dot_general3A_18 = arith.constant dense<0.000000e+00> : vector<16x16000xf32>
    %dot_general3A_19 = tpu.matmul %get3A_17, %mul3A, %dot_general3A_18 {dimension_numbers = #tpu.dot_dimension_numbers<[1], [0], [0], [1], [0, 0, 1, 1], [], []>, transpose_lhs_hint = false} : vector<16x8xf32>, vector<8x16000xf32>, vector<16x16000xf32> -> vector<16x16000xf32>
    %get3A_20 = arith.constant 0 : index
    %get3A_21 = arith.constant 0 : index
    %get3A_22 = vector.load %arg1[%get3A_20, %get3A_21] : memref<16x16000xf32, #tpu.memory_space<vmem>>, vector<16x16000xf32>
    %mul3A_23 = arith.mulf %get3A_22, %dot_general3A_19 : vector<16x16000xf32>
    %reduce_sum3A = arith.constant dense<0.000000e+00> : vector<16000xf32>
    %reduce_sum3A_24 = vector.multi_reduction <add>, %mul3A_23, %reduce_sum3A [0] : vector<16x16000xf32> to vector<16000xf32>
    %mul3A_25 = arith.constant 16000 : i32
    %mul3A_26 = arith.muli %arg0, %mul3A_25 : i32
    %swap3A = arith.index_cast %mul3A_26 : i32 to index
    %swap3A_27 = vector.load %arg6[%swap3A] : memref<320000xf32, #tpu.memory_space<vmem>>, vector<16000xf32>
    tpu.vector_store %arg6[%swap3A], %reduce_sum3A_24 {strides = array<i32>} : memref<320000xf32, #tpu.memory_space<vmem>>, vector<16000xf32>,
    return
  }
  func.func @transform_0(%arg0: i32) -> (i32, i32) {
    %c0_i32 = arith.constant 0 : i32
    %c0_i32_0 = arith.constant 0 : i32
    return %c0_i32, %arg0 : i32, i32
  }
  func.func @transform_1(%arg0: i32) -> (i32, i32) {
    %c0_i32 = arith.constant 0 : i32
    %c0_i32_0 = arith.constant 0 : i32
    return %c0_i32, %arg0 : i32, i32
  }
  func.func @transform_2(%arg0: i32) -> (i32, i32) {
    %c0_i32 = arith.constant 0 : i32
    %c0_i32_0 = arith.constant 0 : i32
    %c0_i32_1 = arith.constant 0 : i32
    return %c0_i32, %c0_i32_0 : i32, i32
  }
  func.func @transform_3(%arg0: i32) -> (i32, i32) {
    %c0_i32 = arith.constant 0 : i32
    %c0_i32_0 = arith.constant 0 : i32
    %c0_i32_1 = arith.constant 0 : i32
    return %c0_i32, %c0_i32_0 : i32, i32
  }
  func.func @transform_4(%arg0: i32) -> (i32, i32) {
    %c0_i32 = arith.constant 0 : i32
    %c0_i32_0 = arith.constant 0 : i32
    %c0_i32_1 = arith.constant 0 : i32
    return %c0_i32, %c0_i32_0 : i32, i32
  }
  func.func @transform_5(%arg0: i32) -> i32 {
    %c0_i32 = arith.constant 0 : i32
    %c0_i32_0 = arith.constant 0 : i32
    return %c0_i32 : i32
  }
}

module attributes {stable_mosaic.version = 14 : i64} {
  func.func @_final_body(%arg0: i32, %arg1: memref<2000x128xf32, #tpu.memory_space<vmem>>, %arg2: memref<1x2000x128xf32, #tpu.memory_space<vmem>>, %arg3: memref<1x2000x128xf32, #tpu.memory_space<vmem>>, %arg4: memref<2000x1xi32, #tpu.memory_space<vmem>>, %arg5: memref<128x160xf32, #tpu.memory_space<vmem>>, %arg6: memref<5x128x160xf32, #tpu.memory_space<vmem>>, %arg7: memref<2000x128xf32, #tpu.memory_space<vmem>>) attributes {dimension_semantics = [#tpu.dimension_semantics<arbitrary>], iteration_bounds = array<i64: 5>, scalar_prefetch = 0 : i64, scratch_operands = 0 : i64, tpu.core_type = #tpu.core_type<tc>, window_params = [{transform_indices = @transform_0, window_bounds = array<i64: 2000, 128>}, {transform_indices = @transform_1, window_bounds = array<i64: 1, 2000, 128>}, {transform_indices = @transform_2, window_bounds = array<i64: 1, 2000, 128>}, {transform_indices = @transform_3, window_bounds = array<i64: 2000, 1>}, {pipeline_mode = #tpu.pipeline_mode<synchronous>, transform_indices = @transform_4, window_bounds = array<i64: 128, 160>}, {pipeline_mode = #tpu.pipeline_mode<synchronous>, transform_indices = @transform_5, window_bounds = array<i64: 5, 128, 160>}, {transform_indices = @transform_6, window_bounds = array<i64: 2000, 128>}]} {
    %get3A = arith.constant 0 : index
    %get3A_0 = arith.constant 0 : index
    %get3A_1 = arith.constant 0 : index
    %get3A_2 = vector.load %arg2[%get3A, %get3A_0, %get3A_1] : memref<1x2000x128xf32, #tpu.memory_space<vmem>>, vector<1x2000x128xf32>
    %get3A_3 = vector.shape_cast %get3A_2 : vector<1x2000x128xf32> to vector<2000x128xf32>
    %get3A_4 = arith.constant 0 : index
    %get3A_5 = arith.constant 0 : index
    %get3A_6 = arith.constant 0 : index
    %get3A_7 = vector.load %arg3[%get3A_4, %get3A_5, %get3A_6] : memref<1x2000x128xf32, #tpu.memory_space<vmem>>, vector<1x2000x128xf32>
    %get3A_8 = vector.shape_cast %get3A_7 : vector<1x2000x128xf32> to vector<2000x128xf32>
    %add3A = arith.addf %get3A_3, %get3A_8 : vector<2000x128xf32>
    %mul3A = arith.constant 0.176776692 : f32
    %mul3A_9 = vector.broadcast %mul3A : f32 to vector<2000x128xf32>
    %mul3A_10 = arith.mulf %add3A, %mul3A_9 : vector<2000x128xf32>
    %get3A_11 = arith.constant 0 : index
    %get3A_12 = arith.constant 0 : index
    %get3A_13 = vector.load %arg5[%get3A_11, %get3A_12] : memref<128x160xf32, #tpu.memory_space<vmem>>, vector<128x160xf32>
    %dot_general3A = arith.constant dense<0.000000e+00> : vector<2000x160xf32>
    %dot_general3A_14 = tpu.matmul %mul3A_10, %get3A_13, %dot_general3A {dimension_numbers = #tpu.dot_dimension_numbers<[1], [0], [0], [1], [0, 0, 1, 1], [], []>, transpose_lhs_hint = false} : vector<2000x128xf32>, vector<128x160xf32>, vector<2000x160xf32> -> vector<2000x160xf32>
    %get3A_15 = arith.constant 0 : index
    %get3A_16 = arith.constant 0 : index
    %get3A_17 = vector.load %arg1[%get3A_15, %get3A_16] : memref<2000x128xf32, #tpu.memory_space<vmem>>, vector<2000x128xf32>
    %get3A_18 = arith.constant 0 : index
    %get3A_19 = arith.constant 0 : index
    %get3A_20 = vector.load %arg4[%get3A_18, %get3A_19] : memref<2000x1xi32, #tpu.memory_space<vmem>>, vector<2000x1xi32>
    %broadcast_in_dim3A = arith.constant 0.000000e+00 : f32
    %broadcast_in_dim3A_21 = vector.broadcast %broadcast_in_dim3A : f32 to vector<2000x160xf32>
    %get3A_22 = arith.constant 0 : index
    %get3A_23 = arith.constant 0 : index
    %get3A_24 = arith.constant 0 : index
    %get3A_25 = vector.load %arg6[%get3A_22, %get3A_23, %get3A_24] : memref<5x128x160xf32, #tpu.memory_space<vmem>>, vector<1x128x160xf32>
    %get3A_26 = vector.shape_cast %get3A_25 : vector<1x128x160xf32> to vector<128x160xf32>
    %dot_general3A_27 = arith.constant dense<0.000000e+00> : vector<2000x160xf32>
    %dot_general3A_28 = tpu.matmul %get3A_17, %get3A_26, %dot_general3A_27 {dimension_numbers = #tpu.dot_dimension_numbers<[1], [0], [0], [1], [0, 0, 1, 1], [], []>, transpose_lhs_hint = false} : vector<2000x128xf32>, vector<128x160xf32>, vector<2000x160xf32> -> vector<2000x160xf32>
    %eq3A = arith.constant 0 : i32
    %eq3A_29 = vector.broadcast %eq3A : i32 to vector<2000x1xi32>
    %eq3A_30 = arith.cmpi eq, %get3A_20, %eq3A_29 : vector<2000x1xi32>
    %jit3A = arith.constant 0.000000e+00 : f32
    %broadcast_in_dim3A_31 = vector.shape_cast %eq3A_30 : vector<2000x1xi1> to vector<2000x1xi1>
    %broadcast_in_dim3A_32 = vector.broadcast %broadcast_in_dim3A_31 : vector<2000x1xi1> to vector<2000x160xi1>
    %broadcast_in_dim3A_33 = vector.broadcast %jit3A : f32 to vector<2000x160xf32>
    %select_n3A = arith.select %broadcast_in_dim3A_32, %dot_general3A_28, %broadcast_in_dim3A_33 : vector<2000x160xi1>, vector<2000x160xf32>
    %add3A_34 = arith.addf %broadcast_in_dim3A_21, %select_n3A : vector<2000x160xf32>
    %get3A_35 = arith.constant 1 : index
    %get3A_36 = arith.constant 0 : index
    %get3A_37 = arith.constant 0 : index
    %get3A_38 = vector.load %arg6[%get3A_35, %get3A_36, %get3A_37] : memref<5x128x160xf32, #tpu.memory_space<vmem>>, vector<1x128x160xf32>
    %get3A_39 = vector.shape_cast %get3A_38 : vector<1x128x160xf32> to vector<128x160xf32>
    %dot_general3A_40 = arith.constant dense<0.000000e+00> : vector<2000x160xf32>
    %dot_general3A_41 = tpu.matmul %get3A_17, %get3A_39, %dot_general3A_40 {dimension_numbers = #tpu.dot_dimension_numbers<[1], [0], [0], [1], [0, 0, 1, 1], [], []>, transpose_lhs_hint = false} : vector<2000x128xf32>, vector<128x160xf32>, vector<2000x160xf32> -> vector<2000x160xf32>
    %eq3A_42 = arith.constant 1 : i32
    %eq3A_43 = vector.broadcast %eq3A_42 : i32 to vector<2000x1xi32>
    %eq3A_44 = arith.cmpi eq, %get3A_20, %eq3A_43 : vector<2000x1xi32>
    %jit3A_45 = arith.constant 0.000000e+00 : f32
    %broadcast_in_dim3A_46 = vector.shape_cast %eq3A_44 : vector<2000x1xi1> to vector<2000x1xi1>
    %broadcast_in_dim3A_47 = vector.broadcast %broadcast_in_dim3A_46 : vector<2000x1xi1> to vector<2000x160xi1>
    %broadcast_in_dim3A_48 = vector.broadcast %jit3A_45 : f32 to vector<2000x160xf32>
    %select_n3A_49 = arith.select %broadcast_in_dim3A_47, %dot_general3A_41, %broadcast_in_dim3A_48 : vector<2000x160xi1>, vector<2000x160xf32>
    %add3A_50 = arith.addf %add3A_34, %select_n3A_49 : vector<2000x160xf32>
    %get3A_51 = arith.constant 2 : index
    %get3A_52 = arith.constant 0 : index
    %get3A_53 = arith.constant 0 : index
    %get3A_54 = vector.load %arg6[%get3A_51, %get3A_52, %get3A_53] : memref<5x128x160xf32, #tpu.memory_space<vmem>>, vector<1x128x160xf32>
    %get3A_55 = vector.shape_cast %get3A_54 : vector<1x128x160xf32> to vector<128x160xf32>
    %dot_general3A_56 = arith.constant dense<0.000000e+00> : vector<2000x160xf32>
    %dot_general3A_57 = tpu.matmul %get3A_17, %get3A_55, %dot_general3A_56 {dimension_numbers = #tpu.dot_dimension_numbers<[1], [0], [0], [1], [0, 0, 1, 1], [], []>, transpose_lhs_hint = false} : vector<2000x128xf32>, vector<128x160xf32>, vector<2000x160xf32> -> vector<2000x160xf32>
    %eq3A_58 = arith.constant 2 : i32
    %eq3A_59 = vector.broadcast %eq3A_58 : i32 to vector<2000x1xi32>
    %eq3A_60 = arith.cmpi eq, %get3A_20, %eq3A_59 : vector<2000x1xi32>
    %jit3A_61 = arith.constant 0.000000e+00 : f32
    %broadcast_in_dim3A_62 = vector.shape_cast %eq3A_60 : vector<2000x1xi1> to vector<2000x1xi1>
    %broadcast_in_dim3A_63 = vector.broadcast %broadcast_in_dim3A_62 : vector<2000x1xi1> to vector<2000x160xi1>
    %broadcast_in_dim3A_64 = vector.broadcast %jit3A_61 : f32 to vector<2000x160xf32>
    %select_n3A_65 = arith.select %broadcast_in_dim3A_63, %dot_general3A_57, %broadcast_in_dim3A_64 : vector<2000x160xi1>, vector<2000x160xf32>
    %add3A_66 = arith.addf %add3A_50, %select_n3A_65 : vector<2000x160xf32>
    %get3A_67 = arith.constant 3 : index
    %get3A_68 = arith.constant 0 : index
    %get3A_69 = arith.constant 0 : index
    %get3A_70 = vector.load %arg6[%get3A_67, %get3A_68, %get3A_69] : memref<5x128x160xf32, #tpu.memory_space<vmem>>, vector<1x128x160xf32>
    %get3A_71 = vector.shape_cast %get3A_70 : vector<1x128x160xf32> to vector<128x160xf32>
    %dot_general3A_72 = arith.constant dense<0.000000e+00> : vector<2000x160xf32>
    %dot_general3A_73 = tpu.matmul %get3A_17, %get3A_71, %dot_general3A_72 {dimension_numbers = #tpu.dot_dimension_numbers<[1], [0], [0], [1], [0, 0, 1, 1], [], []>, transpose_lhs_hint = false} : vector<2000x128xf32>, vector<128x160xf32>, vector<2000x160xf32> -> vector<2000x160xf32>
    %eq3A_74 = arith.constant 3 : i32
    %eq3A_75 = vector.broadcast %eq3A_74 : i32 to vector<2000x1xi32>
    %eq3A_76 = arith.cmpi eq, %get3A_20, %eq3A_75 : vector<2000x1xi32>
    %jit3A_77 = arith.constant 0.000000e+00 : f32
    %broadcast_in_dim3A_78 = vector.shape_cast %eq3A_76 : vector<2000x1xi1> to vector<2000x1xi1>
    %broadcast_in_dim3A_79 = vector.broadcast %broadcast_in_dim3A_78 : vector<2000x1xi1> to vector<2000x160xi1>
    %broadcast_in_dim3A_80 = vector.broadcast %jit3A_77 : f32 to vector<2000x160xf32>
    %select_n3A_81 = arith.select %broadcast_in_dim3A_79, %dot_general3A_73, %broadcast_in_dim3A_80 : vector<2000x160xi1>, vector<2000x160xf32>
    %add3A_82 = arith.addf %add3A_66, %select_n3A_81 : vector<2000x160xf32>
    %get3A_83 = arith.constant 4 : index
    %get3A_84 = arith.constant 0 : index
    %get3A_85 = arith.constant 0 : index
    %get3A_86 = vector.load %arg6[%get3A_83, %get3A_84, %get3A_85] : memref<5x128x160xf32, #tpu.memory_space<vmem>>, vector<1x128x160xf32>
    %get3A_87 = vector.shape_cast %get3A_86 : vector<1x128x160xf32> to vector<128x160xf32>
    %dot_general3A_88 = arith.constant dense<0.000000e+00> : vector<2000x160xf32>
    %dot_general3A_89 = tpu.matmul %get3A_17, %get3A_87, %dot_general3A_88 {dimension_numbers = #tpu.dot_dimension_numbers<[1], [0], [0], [1], [0, 0, 1, 1], [], []>, transpose_lhs_hint = false} : vector<2000x128xf32>, vector<128x160xf32>, vector<2000x160xf32> -> vector<2000x160xf32>
    %eq3A_90 = arith.constant 4 : i32
    %eq3A_91 = vector.broadcast %eq3A_90 : i32 to vector<2000x1xi32>
    %eq3A_92 = arith.cmpi eq, %get3A_20, %eq3A_91 : vector<2000x1xi32>
    %jit3A_93 = arith.constant 0.000000e+00 : f32
    %broadcast_in_dim3A_94 = vector.shape_cast %eq3A_92 : vector<2000x1xi1> to vector<2000x1xi1>
    %broadcast_in_dim3A_95 = vector.broadcast %broadcast_in_dim3A_94 : vector<2000x1xi1> to vector<2000x160xi1>
    %broadcast_in_dim3A_96 = vector.broadcast %jit3A_93 : f32 to vector<2000x160xf32>
    %select_n3A_97 = arith.select %broadcast_in_dim3A_95, %dot_general3A_89, %broadcast_in_dim3A_96 : vector<2000x160xi1>, vector<2000x160xf32>
    %add3A_98 = arith.addf %add3A_82, %select_n3A_97 : vector<2000x160xf32>
    %add3A_99 = arith.addf %dot_general3A_14, %add3A_98 : vector<2000x160xf32>
    %mul3A_100 = arith.constant 5.000000e-01 : f32
    %mul3A_101 = vector.broadcast %mul3A_100 : f32 to vector<2000x160xf32>
    %mul3A_102 = arith.mulf %mul3A_101, %add3A_99 : vector<2000x160xf32>
    %slice3A = vector.extract_strided_slice %mul3A_102 {offsets = [0, 0], sizes = [2000, 32], strides = [1, 1]} : vector<2000x160xf32> to vector<2000x32xf32>
    %slice3A_103 = vector.extract_strided_slice %mul3A_102 {offsets = [0, 32], sizes = [2000, 96], strides = [1, 1]} : vector<2000x160xf32> to vector<2000x96xf32>
    %slice3A_104 = vector.extract_strided_slice %mul3A_102 {offsets = [0, 128], sizes = [2000, 32], strides = [1, 1]} : vector<2000x160xf32> to vector<2000x32xf32>
    %logistic3A = arith.negf %slice3A_104 : vector<2000x32xf32>
    %logistic3A_105 = math.exp %logistic3A : vector<2000x32xf32>
    %logistic3A_106 = arith.constant 1.000000e+00 : f32
    %logistic3A_107 = vector.broadcast %logistic3A_106 : f32 to vector<2000x32xf32>
    %logistic3A_108 = arith.addf %logistic3A_107, %logistic3A_105 : vector<2000x32xf32>
    %logistic3A_109 = arith.divf %logistic3A_107, %logistic3A_108 : vector<2000x32xf32>
    %mul3A_110 = arith.mulf %slice3A_104, %logistic3A_109 : vector<2000x32xf32>
    %iota3A = tpu.iota {dimensions = array<i32: 0>} : vector<32x96xi32>
    %iota3A_111 = tpu.iota {dimensions = array<i32: 1>} : vector<32x96xi32>
    %jit3A_112 = arith.constant 3 : i32
    %div3A = vector.broadcast %jit3A_112 : i32 to vector<32x96xi32>
    %div3A_113 = arith.divsi %iota3A_111, %div3A : vector<32x96xi32>
    %sign3A = arith.constant 0 : i32
    %sign3A_114 = vector.broadcast %sign3A : i32 to vector<32x96xi32>
    %sign3A_115 = arith.cmpi sgt, %iota3A_111, %sign3A_114 : vector<32x96xi32>
    %sign3A_116 = arith.extui %sign3A_115 : vector<32x96xi1> to vector<32x96xi32>
    %sign3A_117 = arith.constant 0 : i32
    %sign3A_118 = vector.broadcast %sign3A_117 : i32 to vector<32x96xi32>
    %sign3A_119 = arith.cmpi slt, %iota3A_111, %sign3A_118 : vector<32x96xi32>
    %sign3A_120 = arith.extui %sign3A_119 : vector<32x96xi1> to vector<32x96xi32>
    %sign3A_121 = arith.subi %sign3A_116, %sign3A_120 : vector<32x96xi32>
    %sign3A_122 = arith.constant 0 : i32
    %sign3A_123 = arith.cmpi sgt, %jit3A_112, %sign3A_122 : i32
    %sign3A_124 = arith.extui %sign3A_123 : i1 to i32
    %sign3A_125 = arith.constant 0 : i32
    %sign3A_126 = arith.cmpi slt, %jit3A_112, %sign3A_125 : i32
    %sign3A_127 = arith.extui %sign3A_126 : i1 to i32
    %sign3A_128 = arith.subi %sign3A_124, %sign3A_127 : i32
    %ne3A = vector.broadcast %sign3A_128 : i32 to vector<32x96xi32>
    %ne3A_129 = arith.cmpi ne, %sign3A_121, %ne3A : vector<32x96xi32>
    %rem3A = vector.broadcast %jit3A_112 : i32 to vector<32x96xi32>
    %rem3A_130 = arith.remsi %iota3A_111, %rem3A : vector<32x96xi32>
    %ne3A_131 = arith.constant 0 : i32
    %ne3A_132 = vector.broadcast %ne3A_131 : i32 to vector<32x96xi32>
    %ne3A_133 = arith.cmpi ne, %rem3A_130, %ne3A_132 : vector<32x96xi32>
    %and3A = arith.andi %ne3A_129, %ne3A_133 : vector<32x96xi1>
    %sub3A = arith.constant 1 : i32
    %sub3A_134 = vector.broadcast %sub3A : i32 to vector<32x96xi32>
    %sub3A_135 = arith.subi %div3A_113, %sub3A_134 : vector<32x96xi32>
    %select_n3A_136 = arith.select %and3A, %sub3A_135, %div3A_113 : vector<32x96xi1>, vector<32x96xi32>
    %eq3A_137 = arith.cmpi eq, %iota3A, %select_n3A_136 : vector<32x96xi32>
    %convert_element_type3A = arith.extui %eq3A_137 : vector<32x96xi1> to vector<32x96xi32>
    %convert_element_type3A_138 = arith.sitofp %convert_element_type3A : vector<32x96xi32> to vector<32x96xf32>
    %dot_general3A_139 = arith.constant dense<0.000000e+00> : vector<2000x96xf32>
    %dot_general3A_140 = tpu.matmul %mul3A_110, %convert_element_type3A_138, %dot_general3A_139 {dimension_numbers = #tpu.dot_dimension_numbers<[1], [0], [0], [1], [0, 0, 1, 1], [], []>, transpose_lhs_hint = false} : vector<2000x32xf32>, vector<32x96xf32>, vector<2000x96xf32> -> vector<2000x96xf32>
    %logistic3A_141 = arith.negf %slice3A : vector<2000x32xf32>
    %logistic3A_142 = math.exp %logistic3A_141 : vector<2000x32xf32>
    %logistic3A_143 = arith.constant 1.000000e+00 : f32
    %logistic3A_144 = vector.broadcast %logistic3A_143 : f32 to vector<2000x32xf32>
    %logistic3A_145 = arith.addf %logistic3A_144, %logistic3A_142 : vector<2000x32xf32>
    %logistic3A_146 = arith.divf %logistic3A_144, %logistic3A_145 : vector<2000x32xf32>
    %mul3A_147 = arith.mulf %slice3A, %logistic3A_146 : vector<2000x32xf32>
    %mul3A_148 = arith.mulf %slice3A_103, %dot_general3A_140 : vector<2000x96xf32>
    %concatenate3A = tpu.concatenate %mul3A_147, %mul3A_148 in 1 : vector<2000x32xf32>, vector<2000x96xf32> -> vector<2000x128xf32>
    %swap3A = arith.constant 0 : index
    %swap3A_149 = arith.constant 0 : index
    %swap3A_150 = vector.load %arg7[%swap3A, %swap3A_149] : memref<2000x128xf32, #tpu.memory_space<vmem>>, vector<2000x128xf32>
    tpu.vector_store %arg7[%swap3A, %swap3A_149], %concatenate3A {strides = array<i32>} : memref<2000x128xf32, #tpu.memory_space<vmem>>, vector<2000x128xf32>,
    return
  }
  func.func @transform_0(%arg0: i32) -> (i32, i32) {
    %c0_i32 = arith.constant 0 : i32
    %c0_i32_0 = arith.constant 0 : i32
    return %arg0, %c0_i32 : i32, i32
  }
  func.func @transform_1(%arg0: i32) -> (i32, i32, i32) {
    %c0_i32 = arith.constant 0 : i32
    %c0_i32_0 = arith.constant 0 : i32
    %c0_i32_1 = arith.constant 0 : i32
    return %c0_i32, %arg0, %c0_i32_0 : i32, i32, i32
  }
  func.func @transform_2(%arg0: i32) -> (i32, i32, i32) {
    %c1_i32 = arith.constant 1 : i32
    %c0_i32 = arith.constant 0 : i32
    %c0_i32_0 = arith.constant 0 : i32
    return %c1_i32, %arg0, %c0_i32 : i32, i32, i32
  }
  func.func @transform_3(%arg0: i32) -> (i32, i32) {
    %c0_i32 = arith.constant 0 : i32
    %c0_i32_0 = arith.constant 0 : i32
    return %arg0, %c0_i32 : i32, i32
  }
  func.func @transform_4(%arg0: i32) -> (i32, i32) {
    %c0_i32 = arith.constant 0 : i32
    %c0_i32_0 = arith.constant 0 : i32
    %c0_i32_1 = arith.constant 0 : i32
    return %c0_i32, %c0_i32_0 : i32, i32
  }
  func.func @transform_5(%arg0: i32) -> (i32, i32, i32) {
    %c0_i32 = arith.constant 0 : i32
    %c0_i32_0 = arith.constant 0 : i32
    %c0_i32_1 = arith.constant 0 : i32
    %c0_i32_2 = arith.constant 0 : i32
    return %c0_i32, %c0_i32_0, %c0_i32_1 : i32, i32, i32
  }
  func.func @transform_6(%arg0: i32) -> (i32, i32) {
    %c0_i32 = arith.constant 0 : i32
    %c0_i32_0 = arith.constant 0 : i32
    return %arg0, %c0_i32 : i32, i32
  }
}

</mosaic_0001>

<sc_bundles>
// kernel: kernel.6.cloned.1.call-start
scs
__scs_entry_jumppad:
0x0: {  	(pc) =	sbr.rel $0x88, $3  }
0x1: {  	(tag) =	ssettag $0x0;
	lr =	simm.s32 $0x1  }
0x2: {  	[smem:$0x3F95] =	sst lr;
	_ =	strace $0xD0000000  }
0x3: {  	_ = 	snop  }
0x4: {  	_ = 	snop  }
0x5: {  	_ = 	snop  }
0x6: {  	_ = 	snop  }
0x7: {  	_ = 	snop  }
__scs_overlays_trampoline_lowered:
0x8: {  	[smem:$0x3FA4] =	sst s0  }
0x9: {  	[smem:$0x3FA5] =	sst s1  }
0xa: {  	[smem:$0x3FA6] =	sst s2  }
0xb: {  	[smem:$0x3FA7] =	sst s3  }
0xc: {  	[smem:$0x3FA8] =	sst s4  }
0xd: {  	[smem:$0x3FA9] =	sst s5  }
0xe: {  	[smem:$0x3FAA] =	sst s6  }
0xf: {  	[smem:$0x3FAB] =	sst s7  }
0x10: {  	[smem:$0x3FAC] =	sst s8  }
0x11: {  	[smem:$0x3FAD] =	sst s9;
	s0 =	simm.s32 @!p0 $0x0  }
0x12: {  	s1 =	sld [smem:$0x3F93];
	s0 =	simm.s32 @p0 $0x1  }
0x13: {  	[smem:$0x3FAE] =	sst s0;
	s0 =	simm.s32 @!p1 $0x0  }
0x14: {  	s2 =	sld [smem:$0x3F92];
	s0 =	simm.s32 @p1 $0x1  }
0x15: {  	[smem:$0x3FAF] =	sst s0;
	s0 =	simm.s32 @!p2 $0x0  }
0x16: {  	s3 =	sld [smem:$0x3FDB];
	s0 =	simm.s32 @p2 $0x1  }
0x17: {  	s4 =	simm.s32 $0x1BF5;
	[smem:$0x3FB1] =	sst s0  }
0x18: {  	s0 =	sld [smem:$0x3F94];
	_ =	swait.ge [sflag:s4], $0x0  }
0x19: {  	s7 =	sld [smem:$0x3F95]  }
0x1a: {  	s8 =	sadd.s32 $0xFFFFE003, lr  }
0x1b: {  	s9 =	sadd.s32 $0xFFFFFEF7, lr;
	s5 =	simm.s32 $0xFFFFFFFF;
	p2 =	slt.u32 s8, $0xFFFFF086  }
0x1c: {  	p1 =	slt.u32 s9, $0xF7A;
	s5 =	simm.s32 @!p2 $0x0  }
0x1d: {  	s5 =	simm.s32 @p1 $0x1;
	p0 =	seq.s32 s7, s2  }
0x1e: {  	s7 =	smul.u32 @!p0 $0xF7A, s2;
	p2 =	seq.s32 @!p0 s5, $0x0  }
0x1f: {  	s9 =	smul.u32 $0xF7A, s1;
	s8 =	simm.s32 @!p0 $0x1BF5;
	p2 =	por !p2, p0  }
0x20: {  	[sflag:s8] =	ssyncset.s32 @!p0 $0xFFFFF086;
	s6 =	sadd.s32 @!p0 s3, s7;
	s7 =	simm.s32 @!p0 $0x108  }
0x21: {  	s3 =	sadd.s32 s3, s9;
	s6 =	sadd.s32 @!p0 $0x88, s6;
	s7 =	simm.s32 @p2 $0x1082  }
0x22: {  	[simem:s7], [sflag:s8] =	dma.local @!p0 [hbm:s6], $0xF7A  }
0x23: {  	s9 =	sor.u32 $0xD0000000, s2;
	s6 =	simm.s32 $0x108;
	_ =	swait.ge @!p0 [sflag:s8], $0x0  }
0x24: {  	s3 =	sadd.s32 $0x88, s3;
	s6 =	simm.s32 @!p1 $0x1082;
	[sflag:s4] =	ssyncset.s32 $0xFFFFF086  }
0x25: {  	[simem:s6], [sflag:s4] =	dma.local [hbm:s3], $0xF7A  }
0x26: {  	[smem:$0x3F95] =	sst s1;
	(tag) =	ssettag s2;
	_ =	strace s9  }
0x27: {  	s1 =	sld [smem:$0x3FA5]  }
0x28: {  	s2 =	sld [smem:$0x3FA6]  }
0x29: {  	s4 =	sld [smem:$0x3FA8]  }
0x2a: {  	p0 =	seq.s32 s5, $0x0;
	s5 =	sld [smem:$0x3FA9]  }
0x2b: {  	s6 =	sld [smem:$0x3FAA]  }
0x2c: {  	s7 =	sld [smem:$0x3FAB]  }
0x2d: {  	s3 =	simm.s32 $0x108;
	s8 =	sld [smem:$0x3FAC]  }
0x2e: {  	s3 =	simm.s32 @!p0 $0x1082;
	s9 =	sld [smem:$0x3FAD]  }
0x2f: {  	lr =	sadd.s32 s0, s3;
	s0 =	sld [smem:$0x3FA4]  }
0x30: {  	s3 =	sld [smem:$0x3FA7]  }
0x31: {  	[smem:$0x3FB0] =	sst s10  }
0x32: {  	s10 =	sld [smem:$0x3FAE];
	_ =	sdelay $0x3  }
0x33: {  	p0 =	seq.s32 s10, $0x1;
	s10 =	sld [smem:$0x3FB0];
	_ =	sdelay $0x3  }
0x34: {  	[smem:$0x3FB0] =	sst s10  }
0x35: {  	s10 =	sld [smem:$0x3FAF];
	_ =	sdelay $0x3  }
0x36: {  	p1 =	seq.s32 s10, $0x1;
	s10 =	sld [smem:$0x3FB0];
	_ =	sdelay $0x3  }
0x37: {  	[smem:$0x3FB0] =	sst s10  }
0x38: {  	s10 =	sld [smem:$0x3FB1]  }
0x39: {  	_ = 	snop;
	(pc) =	sbr.ind lr, $3  }
0x3a: {  	_ = 	snop  }
0x3b: {  	_ = 	snop  }
0x3c: {  	p2 =	seq.s32 s10, $0x1;
	s10 =	sld [smem:$0x3FB0]  }
0x3d: {  	_ =	shalt  }
0x3e: {  	_ =	shalt  }
0x3f: {  	_ =	shalt  }
0x40: {  	_ =	shalt  }
0x41: {  	_ =	shalt  }
0x42: {  	_ =	shalt  }
0x43: {  	_ =	shalt  }
0x44: {  	_ =	shalt  }
0x45: {  	_ =	shalt  }
0x46: {  	_ =	shalt  }
0x47: {  	_ =	shalt  }
0x48: {  	_ =	shalt  }
0x49: {  	_ =	shalt  }
0x4a: {  	_ =	shalt  }
0x4b: {  	_ =	shalt  }
0x4c: {  	_ =	shalt  }
0x4d: {  	_ =	shalt  }
0x4e: {  	_ =	shalt  }
0x4f: {  	_ =	shalt  }
0x50: {  	_ =	shalt  }
0x51: {  	_ =	shalt  }
0x52: {  	_ =	shalt  }
0x53: {  	_ =	shalt  }
0x54: {  	_ =	shalt  }
0x55: {  	_ =	shalt  }
0x56: {  	_ =	shalt  }
0x57: {  	_ =	shalt  }
0x58: {  	_ =	shalt  }
0x59: {  	_ =	shalt  }
0x5a: {  	_ =	shalt  }
0x5b: {  	_ =	shalt  }
0x5c: {  	_ =	shalt  }
0x5d: {  	_ =	shalt  }
0x5e: {  	_ =	shalt  }
0x5f: {  	_ =	shalt  }
0x60: {  	_ =	shalt  }
0x61: {  	_ =	shalt  }
0x62: {  	_ =	shalt  }
0x63: {  	_ =	shalt  }
0x64: {  	_ =	shalt  }
0x65: {  	_ =	shalt  }
0x66: {  	_ =	shalt  }
0x67: {  	_ =	shalt  }
0x68: {  	_ =	shalt  }
0x69: {  	_ =	shalt  }
0x6a: {  	_ =	shalt  }
0x6b: {  	_ =	shalt  }
0x6c: {  	_ =	shalt  }
0x6d: {  	_ =	shalt  }
0x6e: {  	_ =	shalt  }
0x6f: {  	_ =	shalt  }
0x70: {  	_ =	shalt  }
0x71: {  	_ =	shalt  }
0x72: {  	_ =	shalt  }
0x73: {  	_ =	shalt  }
0x74: {  	_ =	shalt  }
0x75: {  	_ =	shalt  }
0x76: {  	_ =	shalt  }
0x77: {  	_ =	shalt  }
0x78: {  	_ =	shalt  }
0x79: {  	_ =	shalt  }
0x7a: {  	_ =	shalt  }
0x7b: {  	_ =	shalt  }
0x7c: {  	_ =	shalt  }
0x7d: {  	_ =	shalt  }
0x7e: {  	_ =	shalt  }
0x7f: {  	_ =	shalt  }
0x80: {  	_ =	shalt  }
0x81: {  	_ =	shalt  }
0x82: {  	_ =	shalt  }
0x83: {  	_ =	shalt  }
0x84: {  	_ =	shalt  }
0x85: {  	_ =	shalt  }
0x86: {  	_ =	shalt  }
0x87: {  	_ =	shalt  }
.Lfunc_end0:
.L_simem_size_0:
called_computation_lowered:
.L_overlay_start_0:
0x88: {  	s2 =	sld [smem:$0x3FD9]  }
0x89: {  	s3 =	sld [smem:$0x3FFE];
	_ =	sdelay $0x1  }
0x8a: {  	s1 =	srdreg.scid  }
0x8b: {  	s0 =	sand.u32 $0x1, s1  }
0x8c: {  	s17 =	sshll.u32 s0, $0xA;
	s2 =	sadd.s32 s3, s2  }
0x8d: {  	s2 =	sadd.s32 s2, s17  }
0x8e: {  	[smem:$0x3FBC] =	sst s2  }
0x8f: {  	_ = 	snop  }
0x90: {  	s2 =	sld [smem:$0x3FC6]  }
0x91: {  	s18 =	sld [smem:$0x3FC5]  }
0x92: {  	s4 =	sld [smem:$0x3FD0];
	(tm) =	ssettm $0x1  }
0x93: {  	s5 =	sld [smem:$0x3FFB];
	_ =	sdelay $0x3  }
0x94: {  	_ =	strace s5  }
0x95: {  	s5 =	sld [smem:$0x3FFC];
	_ =	sdelay $0x3  }
0x96: {  	_ =	strace s5  }
0x97: {  	s5 =	sld [smem:$0x3FFD];
	_ =	sdelay $0x3  }
0x98: {  	_ =	strace s5  }
0x99: {  	_ =	strace $0x8FFFFFFF  }
0x9a: {  	s19 =	sld [smem:$0x3FDB];
	_ =	sdelay $0x1  }
0x9b: {  	s6 =	simm.s32 $_scs_section_size  }
0x9c: {  	s7 =	simm.s32 $_size__tile_overlayer_lowered;
	s8 =	simm.s32 $_tile_overlayer_lowered  }
0x9d: {  	s22 =	simm.s32 $0x1BFF;
	s21 =	sshll.u32 s8, $0x1;
	s5 =	sadd.s32 s6, s19  }
0x9e: {  	s9 =	simm.s32 $0x0;
	s20 =	sshll.u32 s7, $0x1;
	s7 =	sadd.s32 s21, s5  }
0x9f: {  	[timem:s9], [sflag:s22] =	dma.local [hbm:s7], s20  }
0xa0: {  	_ =	swait.ge [sflag:s22], s20  }
0xa1: {  	s6 =	ssub.s32 $0x0, s20;
	[sflag:s22] =	ssyncset.done $0x0  }
0xa2: {  	[sflag:s22] =	ssyncadd.s32 s6;
	_ =	sdelay $0x1  }
0xa3: {  	s23 =	simm.s32 $0x1B8B  }
0xa4: {  	_ =	swait.ge [sflag:s23], $0x1  }
0xa5: {  	[sflag:s23] =	ssyncset.done $0x0  }
0xa6: {  	s25 =	simm.s32 $0x1B8E;
	s24 =	sld [smem:$0x3FFE];
	[sflag:s23] =	ssyncadd.s32 $0xFFFFFFFF  }
0xa7: {  	s26 =	simm.s32 $execute0_lowered;
	[smem:$0x3FD2] =	sst s25  }
0xa8: {  	s7 =	sshll.u32 s26, $0x1;
	_ =	strace $0x80000046;
	[dreg:$0x1] =	wrdreg $0xFFFFFFFF  }
0xa9: {  	s28 =	simm.s32 $_size_execute0_lowered;
	s5 =	sadd.s32 s5, s7;
	[dreg:$0x0] =	wrdreg $0x0  }
0xaa: {  	s7 =	sshll.u32 s28, $0x1;
	[dreg:$0x2] =	wrdreg s5  }
0xab: {  	[dreg:$0x3] =	wrdreg s7  }
0xac: {  	[dreg:$0x4] =	wrdreg $0xC0  }
0xad: {  	_ =	task [dreg:s9], $0x5FFFF  }
0xae: {  	[dreg:$0x1] =	wrdreg $0xFFFFFFFF  }
0xaf: {  	[dreg:$0x0] =	wrdreg $0x60  }
0xb0: {  	[dreg:$0x2] =	wrdreg s4  }
0xb1: {  	[dreg:$0x3] =	wrdreg s2  }
0xb2: {  	[dreg:$0x4] =	wrdreg s18  }
0xb3: {  	[dreg:$0x5] =	wrdreg s24  }
0xb4: {  	[dreg:$0x6] =	wrdreg $0xC7800  }
0xb5: {  	[dreg:$0x7] =	wrdreg $0x9  }
0xb6: {  	_ =	task.clear_ibuf [dreg:s9], $0x8FFFF;
	_ =	strace $0x90000046  }
0xb7: {  	s29 =	simm.s32 $0x9;
	_ =	strace $0x80000048  }
0xb8: {  	_ =	swait.ge [sflag:s29], $0x1  }
0xb9: {  	[sflag:s29] =	ssyncadd.s32 $0xFFFFFFFF  }
0xba: {  	_ =	strace $0x90000048  }
0xbb: {  	_ =	sfence  }
0xbc: {  	s30 =	sld [smem:$0x0];
	_ =	sdelay $0x2  }
0xbd: {  	s31 =	sshll.u32 s1, $0xD;
	s1 =	sshrl.u32 s1, $0x2  }
0xbe: {  	s3 =	sand.u32 $0x4000, s31;
	s1 =	sadd.s32 s1, s30  }
0xbf: {  	s0 =	sor.u32 s3, s0;
	s1 =	sshll.u32 s1, $0x11  }
0xc0: {  	s0 =	sor.u32 s1, s0  }
0xc1: {  	s0 =	sadd.s32 $0x8F2B, s0  }
0xc2: {  	[sflag:s0] =	ssyncadd.remote.s32 $0x1  }
0xc3: {  	_ =	sfence.sel $0xFFFF  }
0xc4: {  	[dreg:$0x0] =	wrdreg $0xFFFFFFFF;
	(pc) =	sbr.abs _section_cstart, $3  }
0xc5: {  	[dreg:$0x1] =	wrdreg $0xFFFFFFFF  }
0xc6: {  	_ =	task.clear_ibuf [dreg:s9], $0x2FFFF;
	_ =	strace $0x9FFFFFFF  }
0xc7: {  	(tm) =	ssettm $0x7FFFFFFF  }
tec
execute0_lowered:
.L_overlay_start_1:
0x0: {  	(tag) =	ssettag $0x1  }
0x1: {  	s0 =	rddreg [dreg:$0x0]  }
0x2: {  	s1 =	rddreg [dreg:$0x1]  }
0x3: {  	s2 =	srdreg.scid;
	s5 =	rddreg [dreg:$0x2]  }
0x4: {  	s6 =	rddreg [dreg:$0x3];
	s12 =	stileid.u32  }
0x5: {  	s3 =	rddreg [dreg:$0x4];
	s9 =	smul.u32 $0x4E000, s12  }
0x6: {  	s28 =	simm.s32 $0x0;
	s2 =	sand.u32 $0x1, s2;
	s26 =	smul.u32 $0x13800, s12  }
0x7: {  	s16 =	sadd.s32 $0x138000, s3;
	p0 =	sne.s32 s12, $0x0;
	s4 =	sshll.u32 s2, $0x4  }
0x8: {  	s8 =	ssub.s32 $0x2, s2;
	s23 =	smul.u32 $0x138800, s2;
	s7 =	sor.u32 s12, s4  }
0x9: {  	s4 =	simm.s32 $0x0;
	s11 =	sshrl.u32 s8, $0x1;
	s7 =	smul.u32 $0x4E2, s7  }
0xa: {  	s9 =	sshrl.u32 s9, $0x2;
	[smem:$0x7FF] =	sst s4;
	s8 =	ssub.s32 s8, s11  }
0xb: {  	s2 =	sadd.s32 s26, s23;
	_ =	strace $0x80000047;
	s1 =	sadd.s32 s1, s7  }
0xc: {  	s10 =	sadd.s32 s7, s6;
	s20 =	sadd.s32 s5, s7;
	[dreg:$0x6] =	wrdreg s1  }
0xd: {  	s7 =	sadd.s32 s9, s3;
	[dreg:$0x7] =	wrdreg s20;
	s21 =	sadd.s32 $0x1E00, s10  }
0xe: {  	s26 =	simm.s32 $0x1;
	s22 =	sadd.s32 $0x2800, s7;
	[dreg:$0x8] =	wrdreg s21  }
0xf: {  	s2 =	sshrl.u32 s2, $0x3;
	s24 =	sadd.s32 $0x5000, s7;
	[dreg:$0x9] =	wrdreg s22  }
0x10: {  	s19 =	smax.u32 s8, $0x1;
	s25 =	sadd.s32 $0x7800, s7;
	[dreg:$0xa] =	wrdreg s24  }
0x11: {  	s6 =	sadd.s32 $0xBC00, s6;
	s29 =	sadd.s32 $0xA000, s7;
	[dreg:$0xb] =	wrdreg s25  }
0x12: {  	s30 =	sadd.s32 $0xC800, s7;
	s31 =	sadd.s32 $0xF000, s7;
	[dreg:$0xc] =	wrdreg s29  }
0x13: {  	s15 =	sadd.s32 $0x11800, s7;
	s1 =	sshrl.u32 s23, $0x3;
	[dreg:$0xd] =	wrdreg s30  }
0x14: {  	s17 =	sadd.s32 s6, s2;
	s23 =	simm.s32 $0x3;
	[dreg:$0xe] =	wrdreg s31  }
0x15: {  	s1 =	sadd.s32 s6, s1;
	s21 =	simm.s32 $0x4F00;
	s22 =	simm.s32 $0x7680  }
0x16: {  	v0 =	vimm.f32 $0.0e+00;
	s24 =	simm.s32 $0x2;
	s25 =	simm.s32 $0x50;
	s18 =	sadd.s32 $0x27000, s1  }
.LBB2_1:
0x17: {  	s1 =	rddreg [dreg:$0x6]  }
0x18: {  	[tilespmem:s4], [sflag:$0x2] =	stream.linear.gather [hbm4b:s1+s4], $0x2710, $0x38;
	v63 =	vld [tilespmem:$0x0]  }
0x19: {  	s30 =	rddreg [dreg:$0x7];
	s2 =	simm.s32 $0x2780  }
0x1a: {  	[tilespmem:s2], [sflag:$0x2] =	stream.linear.gather [hbm4b:s30+s4], $0x2710, $0x38;
	v63 =	vld [tilespmem:$0x0]  }
0x1b: {  	s31 =	rddreg [dreg:$0x8];
	s1 =	simm.s32 $0x0;
	s2 =	simm.s32 $0x200  }
0x1c: {  	[tilespmem:s21], [sflag:$0x2] =	stream.linear.gather [hbm4b:s31+s4], $0x2710, $0x38;
	v63 =	vld [tilespmem:$0x0]  }
.LBB2_2:
0x1d: {  	p1 =	sne.s32 s2, $0x9E00;
	[tilespmem:s1+$0x76F0] =	vst v0  }
0x1e: {  	[tilespmem:s1+$0x7680] =	vst v0  }
0x1f: {  	[tilespmem:s1+$0x7690] =	vst v0  }
.Ltmp0:
0x20: {  	[tilespmem:s1+$0x76A0] =	vst v0;
	(pc) =	sbr.rel @p1 .LBB2_2-.Ltmp0, $4  }
0x21: {  	[tilespmem:s1+$0x76B0] =	vst v0  }
0x22: {  	[tilespmem:s1+$0x76C0] =	vst v0  }
0x23: {  	[tilespmem:s1+$0x76D0] =	vst v0  }
0x24: {  	[tilespmem:s1+$0x76E0] =	vst v0;
	s1 =	sshra.s32 s2, $0x2;
	s2 =	sadd.s32 $0x200, s2  }
0x25: {  	[tilespmem:s1+$0x76F0] =	vst v0  }
0x26: {  	[tilespmem:s1+$0x7680] =	vst v0  }
0x27: {  	[tilespmem:s1+$0x7690] =	vst v0  }
0x28: {  	[tilespmem:s1+$0x76A0] =	vst v0  }
0x29: {  	[tilespmem:s1+$0x76B0] =	vst v0  }
0x2a: {  	[tilespmem:s1+$0x76C0] =	vst v0  }
0x2b: {  	[tilespmem:s1+$0x76D0] =	vst v0  }
0x2c: {  	[tilespmem:s1+$0x76E0] =	vst v0  }
0x2d: {  	[spmem:s7] =	stream.linear.scatter [tilespmem:s22], [sflag:$0x3], $0x2800, $0x38;
	v63 =	vld [tilespmem:$0x0]  }
0x2e: {  	_ =	swait.ge [sflag:s23], $0x2800  }
0x2f: {  	[sflag:s23] =	ssyncset.done $0x0  }
0x30: {  	s11 =	rddreg [dreg:$0x9];
	[sflag:s23] =	ssyncadd.s32 $0xFFFFD800  }
0x31: {  	[spmem:s11] =	stream.linear.scatter [tilespmem:s22], [sflag:$0x3], $0x2800, $0x38;
	v63 =	vld [tilespmem:$0x0]  }
0x32: {  	_ =	swait.ge [sflag:s23], $0x2800  }
0x33: {  	[sflag:s23] =	ssyncset.done $0x0  }
0x34: {  	s12 =	rddreg [dreg:$0xa];
	[sflag:s23] =	ssyncadd.s32 $0xFFFFD800  }
0x35: {  	[spmem:s12] =	stream.linear.scatter [tilespmem:s22], [sflag:$0x3], $0x2800, $0x38;
	v63 =	vld [tilespmem:$0x0]  }
0x36: {  	_ =	swait.ge [sflag:s23], $0x2800  }
0x37: {  	[sflag:s23] =	ssyncset.done $0x0  }
0x38: {  	s13 =	rddreg [dreg:$0xb];
	[sflag:s23] =	ssyncadd.s32 $0xFFFFD800  }
0x39: {  	[spmem:s13] =	stream.linear.scatter [tilespmem:s22], [sflag:$0x3], $0x2800, $0x38;
	v63 =	vld [tilespmem:$0x0]  }
0x3a: {  	_ =	swait.ge [sflag:s23], $0x2800  }
0x3b: {  	[sflag:s23] =	ssyncset.done $0x0  }
0x3c: {  	s14 =	rddreg [dreg:$0xc];
	[sflag:s23] =	ssyncadd.s32 $0xFFFFD800  }
0x3d: {  	[spmem:s14] =	stream.linear.scatter [tilespmem:s22], [sflag:$0x3], $0x2800, $0x38;
	v63 =	vld [tilespmem:$0x0]  }
0x3e: {  	_ =	swait.ge [sflag:s23], $0x2800  }
0x3f: {  	[sflag:s23] =	ssyncset.done $0x0  }
0x40: {  	s20 =	rddreg [dreg:$0xd];
	[sflag:s23] =	ssyncadd.s32 $0xFFFFD800  }
0x41: {  	[spmem:s20] =	stream.linear.scatter [tilespmem:s22], [sflag:$0x3], $0x2800, $0x38;
	v63 =	vld [tilespmem:$0x0]  }
0x42: {  	_ =	swait.ge [sflag:s23], $0x2800  }
0x43: {  	[sflag:s23] =	ssyncset.done $0x0  }
0x44: {  	s30 =	rddreg [dreg:$0xe];
	[sflag:s23] =	ssyncadd.s32 $0xFFFFD800  }
0x45: {  	[spmem:s30] =	stream.linear.scatter [tilespmem:s22], [sflag:$0x3], $0x2800, $0x38;
	v63 =	vld [tilespmem:$0x0]  }
0x46: {  	_ =	swait.ge [sflag:s23], $0x2800  }
0x47: {  	[sflag:s23] =	ssyncset.done $0x0  }
0x48: {  	[sflag:s23] =	ssyncadd.s32 $0xFFFFD800  }
0x49: {  	[spmem:s15] =	stream.linear.scatter [tilespmem:s22], [sflag:$0x3], $0x2000, $0x38;
	v63 =	vld [tilespmem:$0x0]  }
0x4a: {  	_ =	swait.ge [sflag:s23], $0x2000  }
0x4b: {  	[sflag:s23] =	ssyncset.done $0x0  }
0x4c: {  	s1 =	simm.s32 @!p0 $0x7680;
	[sflag:s23] =	ssyncadd.s32 $0xFFFFE000  }
0x4d: {  	[spmem:s16] =	stream.linear.scatter @!p0 [tilespmem:s1], [sflag:$0x3], $0x800, $0x38;
	v63 =	vld [tilespmem:$0x0]  }
0x4e: {  	s1 =	simm.s32 @!p0 $0x3  }
0x4f: {  	_ =	swait.ge @!p0 [sflag:s1], $0x800  }
0x50: {  	[sflag:s1] =	ssyncset.done @!p0 $0x0  }
0x51: {  	[sflag:s1] =	ssyncadd.s32 @!p0 $0xFFFFF800  }
0x52: {  	_ =	swait.ge [sflag:s24], $0x2710  }
0x53: {  	[sflag:s24] =	ssyncset.done $0x0  }
0x54: {  	[sflag:s24] =	ssyncadd.s32 $0xFFFFD8F0  }
0x55: {  	_ =	swait.ge [sflag:s24], $0x2710  }
0x56: {  	[sflag:s24] =	ssyncset.done $0x0  }
0x57: {  	[sflag:s24] =	ssyncadd.s32 $0xFFFFD8F0  }
0x58: {  	_ =	swait.ge [sflag:s24], $0x2710  }
0x59: {  	[sflag:s24] =	ssyncset.done $0x0  }
0x5a: {  	s31 =	simm.s32 $0x0;
	[sflag:s24] =	ssyncadd.s32 $0xFFFFD8F0  }
0x5b: {  	p1 =	por $0x0, $0x0;
	s29 =	simm.s32 $0x0;
	[bflag:$0x0] =	sbarrier.arrive $0xFFFF  }
0x5c: {  	[tilespmem:s22], [sflag:$0x1] =	stream.indirect.gather [hbm4b:s0+s25], $0x80, s31, s25, $0xb8;
	v63 =	vld [tilespmem:$0x0]  }
.LBB2_4:
0x5d: {  	s1 =	sand.u32 $0x1, s31;
	p2 =	seq.s32 s31, $0x7C  }
0x5e: {  	s5 =	sxor.u32 @!p2 $0x1, s1  }
0x5f: {  	s6 =	smul.u32 @!p2 $0xA000, s5;
	s5 =	sadd.s32 $0xFFFFFFF8, s29  }
0x60: {  	s2 =	simm.s32 $0x1;
	s30 =	sadd.s32 $0x1, s31;
	s9 =	sadd.s32 $0x8, s5  }
0x61: {  	s2 =	simm.s32 @!p1 $0x0;
	s8 =	smul.u32 @!p2 $0x140, s30;
	v1 =	vmov s9  }
0x62: {  	s2 =	smul.u32 $0xA000, s2;
	s6 =	sshrl.u32 @!p2 s6, $0x2;
	v1 =	vand.u32 $0xFFFFFFF8, v1  }
0x63: {  	s8 =	sshra.s32 @!p2 s8, $0x2;
	s9 =	simm.s32 @!p2 $0x50;
	s6 =	sadd.s32 @!p2 $0x7680, s6;
	v1 =	vbroadcast v1, $0x0  }
0x64: {  	[tilespmem:s6], [sflag:$0x1] =	stream.indirect.gather @!p2 [hbm4b:s0+s9], $0x80, s8, s9, $0xb8;
	v63 =	vld [tilespmem:$0x0]  }
0x65: {  	_ =	swait.ge [sflag:s26], $0x2800  }
0x66: {  	s2 =	sshrl.u32 s2, $0x2;
	[sflag:s26] =	ssyncset.done $0x0  }
0x67: {  	s20 =	sadd.s32 $0x7880, s2;
	[sflag:s26] =	ssyncadd.s32 $0xFFFFD800  }
0x68: {  	v3 =	vld [tilespmem:s20+$0xFFFFFE70]  }
0x69: {  	v1 =	vld.idx.msk [tilespmem:v1+s21+$0x0], $0xffff  }
0x6a: {  	v4 =	vld [tilespmem:s20+$0xFFFFFE00]  }
0x6b: {  	v5 =	vld [tilespmem:s20+$0xFFFFFE20]  }
0x6c: {  	v6 =	vld [tilespmem:s20+$0xFFFFFE30]  }
0x6d: {  	v2 =	vld [tilespmem:s20+$0xFFFFFE50]  }
0x6e: {  	v8 =	vld [tilespmem:s20+$0xFFFFFE10];
	v3 =	vmul.f32 v3, v1  }
0x6f: {  	s8 =	sadd.s32 $0x9, s5;
	v7 =	vld [tilespmem:s20+$0xFFFFFE60];
	v4 =	vmul.f32 v4, v1  }
0x70: {  	v10 =	vmov s8;
	v9 =	vld [tilespmem:s20+$0xFFFFFE40];
	v5 =	vmul.f32 v5, v1;
	[tilespmem:s20+$0xFFFFFE70] =	vst v3  }
0x71: {  	v6 =	vmul.f32 v6, v1;
	v3 =	vand.u32 $0xFFFFFFF9, v10;
	[tilespmem:s20+$0xFFFFFE00] =	vst v4  }
0x72: {  	v2 =	vmul.f32 v2, v1;
	[tilespmem:s20+$0xFFFFFE20] =	vst v5;
	v3 =	vbroadcast v3, $0x0  }
0x73: {  	v4 =	vmul.f32 v8, v1;
	[tilespmem:s20+$0xFFFFFE30] =	vst v6  }
0x74: {  	v5 =	vmul.f32 v7, v1;
	[tilespmem:s20+$0xFFFFFE50] =	vst v2  }
0x75: {  	v1 =	vmul.f32 v9, v1;
	[tilespmem:s20+$0xFFFFFE10] =	vst v4  }
0x76: {  	[tilespmem:s20+$0xFFFFFE60] =	vst v5  }
0x77: {  	[tilespmem:s20+$0xFFFFFE40] =	vst v1  }
0x78: {  	v1 =	vld.idx.msk [tilespmem:v3+s21+$0x0], $0xffff  }
0x79: {  	v3 =	vld [tilespmem:s20+$0xFFFFFE90]  }
0x7a: {  	v4 =	vld [tilespmem:s20+$0xFFFFFEC0]  }
0x7b: {  	v5 =	vld [tilespmem:s20+$0xFFFFFE80]  }
0x7c: {  	v6 =	vld [tilespmem:s20+$0xFFFFFED0]  }
0x7d: {  	v2 =	vld [tilespmem:s20+$0xFFFFFEF0]  }
0x7e: {  	v7 =	vld [tilespmem:s20+$0xFFFFFEE0];
	v3 =	vmul.f32 v3, v1  }
0x7f: {  	s9 =	sadd.s32 $0xA, s5;
	v8 =	vld [tilespmem:s20+$0xFFFFFEB0];
	v4 =	vmul.f32 v4, v1  }
0x80: {  	v9 =	vld [tilespmem:s20+$0xFFFFFEA0];
	v10 =	vmov s9;
	v5 =	vmul.f32 v5, v1;
	[tilespmem:s20+$0xFFFFFE90] =	vst v3  }
0x81: {  	v6 =	vmul.f32 v6, v1;
	v3 =	vand.u32 $0xFFFFFFFA, v10;
	[tilespmem:s20+$0xFFFFFEC0] =	vst v4  }
0x82: {  	v2 =	vmul.f32 v2, v1;
	[tilespmem:s20+$0xFFFFFE80] =	vst v5;
	v3 =	vbroadcast v3, $0x0  }
0x83: {  	v4 =	vmul.f32 v7, v1;
	[tilespmem:s20+$0xFFFFFED0] =	vst v6  }
0x84: {  	v5 =	vmul.f32 v8, v1;
	[tilespmem:s20+$0xFFFFFEF0] =	vst v2  }
0x85: {  	v1 =	vmul.f32 v9, v1;
	[tilespmem:s20+$0xFFFFFEE0] =	vst v4  }
0x86: {  	[tilespmem:s20+$0xFFFFFEB0] =	vst v5  }
0x87: {  	v2 =	vld [tilespmem:s20+$0xFFFFFF00];
	[tilespmem:s20+$0xFFFFFEA0] =	vst v1  }
0x88: {  	v1 =	vld.idx.msk [tilespmem:v3+s21+$0x0], $0xffff  }
0x89: {  	v3 =	vld [tilespmem:s20+$0xFFFFFF60]  }
0x8a: {  	v4 =	vld [tilespmem:s20+$0xFFFFFF10]  }
0x8b: {  	v5 =	vld [tilespmem:s20+$0xFFFFFF50]  }
0x8c: {  	v6 =	vld [tilespmem:s20+$0xFFFFFF70]  }
0x8d: {  	v7 =	vld [tilespmem:s20+$0xFFFFFF20];
	v2 =	vmul.f32 v2, v1  }
0x8e: {  	s10 =	sadd.s32 $0xB, s5;
	v8 =	vld [tilespmem:s20+$0xFFFFFF30];
	v3 =	vmul.f32 v3, v1  }
0x8f: {  	v9 =	vmov s10;
	v10 =	vld [tilespmem:s20+$0xFFFFFF40];
	v4 =	vmul.f32 v4, v1;
	[tilespmem:s20+$0xFFFFFF00] =	vst v2  }
0x90: {  	v5 =	vmul.f32 v5, v1;
	v2 =	vand.u32 $0xFFFFFFFB, v9;
	[tilespmem:s20+$0xFFFFFF60] =	vst v3  }
0x91: {  	v3 =	vmul.f32 v6, v1;
	[tilespmem:s20+$0xFFFFFF10] =	vst v4;
	v2 =	vbroadcast v2, $0x0  }
0x92: {  	v4 =	vmul.f32 v7, v1;
	[tilespmem:s20+$0xFFFFFF50] =	vst v5  }
0x93: {  	v5 =	vmul.f32 v8, v1;
	[tilespmem:s20+$0xFFFFFF70] =	vst v3  }
0x94: {  	v1 =	vmul.f32 v10, v1;
	[tilespmem:s20+$0xFFFFFF20] =	vst v4  }
0x95: {  	[tilespmem:s20+$0xFFFFFF30] =	vst v5  }
0x96: {  	[tilespmem:s20+$0xFFFFFF40] =	vst v1  }
0x97: {  	v1 =	vld.idx.msk [tilespmem:v2+s21+$0x0], $0xffff  }
0x98: {  	v2 =	vld [tilespmem:s20+$0xFFFFFFB0]  }
0x99: {  	v4 =	vld [tilespmem:s20+$0xFFFFFFE0]  }
0x9a: {  	v5 =	vld [tilespmem:s20+$0xFFFFFF80]  }
0x9b: {  	v6 =	vld [tilespmem:s20+$0xFFFFFFD0]  }
0x9c: {  	v3 =	vld [tilespmem:s20+$0xFFFFFFF0]  }
0x9d: {  	v8 =	vld [tilespmem:s20+$0xFFFFFFA0];
	v2 =	vmul.f32 v2, v1  }
0x9e: {  	s11 =	sadd.s32 $0xC, s5;
	v7 =	vld [tilespmem:s20+$0xFFFFFF90];
	v4 =	vmul.f32 v4, v1  }
0x9f: {  	v9 =	vld [tilespmem:s20+$0xFFFFFFC0];
	v10 =	vmov s11;
	v5 =	vmul.f32 v5, v1;
	[tilespmem:s20+$0xFFFFFFB0] =	vst v2  }
0xa0: {  	v6 =	vmul.f32 v6, v1;
	v2 =	vand.u32 $0xFFFFFFFC, v10;
	[tilespmem:s20+$0xFFFFFFE0] =	vst v4  }
0xa1: {  	v3 =	vmul.f32 v3, v1;
	[tilespmem:s20+$0xFFFFFF80] =	vst v5;
	v2 =	vbroadcast v2, $0x0  }
0xa2: {  	v12 =	vld [tilespmem:s20+$0x40];
	v4 =	vmul.f32 v8, v1;
	[tilespmem:s20+$0xFFFFFFD0] =	vst v6  }
0xa3: {  	v5 =	vmul.f32 v7, v1;
	[tilespmem:s20+$0xFFFFFFF0] =	vst v3;
	v10 =	vld [tilespmem:s20+$0x0]  }
0xa4: {  	v1 =	vmul.f32 v9, v1;
	v3 =	vld [tilespmem:s20+$0x70];
	[tilespmem:s20+$0xFFFFFFA0] =	vst v4  }
0xa5: {  	v7 =	vld [tilespmem:s20+$0x20];
	[tilespmem:s20+$0xFFFFFF90] =	vst v5  }
0xa6: {  	v8 =	vld [tilespmem:s20+$0x30];
	[tilespmem:s20+$0xFFFFFFC0] =	vst v1  }
0xa7: {  	v4 =	vld.idx.msk [tilespmem:v2+s21+$0x0], $0xffff  }
0xa8: {  	s12 =	smul.u32 $0xA000, s1;
	v6 =	vld [tilespmem:s20+$0x10]  }
0xa9: {  	s13 =	sadd.s32 $0xD, s5;
	v5 =	vld [tilespmem:s20+$0x50]  }
0xaa: {  	s14 =	sadd.s32 $0xE, s5;
	s2 =	sshrl.u32 s12, $0x2;
	v9 =	vld [tilespmem:s20+$0x60];
	v1 =	vmov s13  }
0xab: {  	s2 =	sadd.s32 $0x7680, s2;
	v2 =	vand.u32 $0xFFFFFFFD, v1;
	v1 =	vmov s14  }
0xac: {  	s6 =	sadd.s32 $0xF, s5;
	s5 =	smov.u32 s20;
	s8 =	simm.s32 $0x0;
	v1 =	vand.u32 $0xFFFFFFFE, v1;
	v11 =	vmul.f32 v10, v4;
	v10 =	vmul.f32 v12, v4  }
.LBB2_5:
0xad: {  	v7 =	vmul.f32 v7, v4;
	v8 =	vmul.f32 v8, v4;
	s20 =	sadd.s32 $0x400, s20;
	s9 =	smov.u32 s8;
	s8 =	sadd.s32 $0x8, s8  }
0xae: {  	v5 =	vmul.f32 v5, v4;
	p2 =	slt.u32 s8, $0x48;
	[tilespmem:s5+$0x0] =	vst v11;
	v6 =	vmul.f32 v6, v4  }
0xaf: {  	v3 =	vmul.f32 v3, v4;
	[tilespmem:s5+$0x40] =	vst v10;
	v9 =	vmul.f32 v9, v4  }
0xb0: {  	v2 =	vbroadcast v2, $0x0;
	[tilespmem:s5+$0x20] =	vst v7  }
0xb1: {  	[tilespmem:s5+$0x50] =	vst v5  }
0xb2: {  	[tilespmem:s5+$0x70] =	vst v3;
	v3 =	vld [tilespmem:s5+$0xA0]  }
0xb3: {  	[tilespmem:s5+$0x30] =	vst v8;
	v4 =	vld [tilespmem:s5+$0x80]  }
0xb4: {  	[tilespmem:s5+$0x60] =	vst v9;
	v5 =	vld [tilespmem:s5+$0xD0]  }
0xb5: {  	[tilespmem:s5+$0x10] =	vst v6;
	v6 =	vld [tilespmem:s5+$0xF0]  }
0xb6: {  	v2 =	vld.idx.msk [tilespmem:v2+s21+$0x0], $0xffff  }
0xb7: {  	v7 =	vld [tilespmem:s5+$0xC0]  }
0xb8: {  	v8 =	vld [tilespmem:s5+$0xB0]  }
0xb9: {  	v9 =	vld [tilespmem:s5+$0x90]  }
0xba: {  	v10 =	vld [tilespmem:s5+$0xE0];
	_ =	sdelay $0x1  }
0xbb: {  	v4 =	vmul.f32 v4, v2;
	v7 =	vmul.f32 v7, v2  }
0xbc: {  	v3 =	vmul.f32 v3, v2;
	v8 =	vmul.f32 v8, v2  }
0xbd: {  	v5 =	vmul.f32 v5, v2;
	[tilespmem:s5+$0x80] =	vst v4;
	v4 =	vmul.f32 v9, v2  }
0xbe: {  	[tilespmem:s5+$0xA0] =	vst v3;
	v3 =	vmul.f32 v10, v2;
	v2 =	vmul.f32 v6, v2  }
0xbf: {  	v1 =	vbroadcast v1, $0x0;
	[tilespmem:s5+$0xD0] =	vst v5  }
0xc0: {  	[tilespmem:s5+$0xC0] =	vst v7  }
0xc1: {  	[tilespmem:s5+$0xF0] =	vst v2;
	v2 =	vld [tilespmem:s5+$0x120]  }
0xc2: {  	[tilespmem:s5+$0xB0] =	vst v8;
	v5 =	vld [tilespmem:s5+$0x100]  }
0xc3: {  	[tilespmem:s5+$0x90] =	vst v4;
	v4 =	vld [tilespmem:s5+$0x140]  }
0xc4: {  	[tilespmem:s5+$0xE0] =	vst v3;
	v3 =	vld [tilespmem:s5+$0x130]  }
0xc5: {  	v1 =	vld.idx.msk [tilespmem:v1+s21+$0x0], $0xffff  }
0xc6: {  	v6 =	vld [tilespmem:s5+$0x110]  }
0xc7: {  	v7 =	vld [tilespmem:s5+$0x160]  }
0xc8: {  	v8 =	vld [tilespmem:s5+$0x150]  }
0xc9: {  	v9 =	vld [tilespmem:s5+$0x170];
	_ =	sdelay $0x1  }
0xca: {  	v5 =	vmul.f32 v5, v1;
	v6 =	vmul.f32 v6, v1  }
0xcb: {  	v2 =	vmul.f32 v2, v1;
	v3 =	vmul.f32 v3, v1  }
0xcc: {  	v4 =	vmul.f32 v4, v1;
	[tilespmem:s5+$0x100] =	vst v5;
	v5 =	vmul.f32 v8, v1  }
0xcd: {  	[tilespmem:s5+$0x120] =	vst v2;
	v2 =	vmul.f32 v7, v1;
	v1 =	vmul.f32 v9, v1  }
0xce: {  	[tilespmem:s5+$0x130] =	vst v3  }
0xcf: {  	v3 =	vmov s6;
	[tilespmem:s5+$0x140] =	vst v4  }
0xd0: {  	[tilespmem:s5+$0x160] =	vst v2;
	v2 =	vld [tilespmem:s5+$0x180]  }
0xd1: {  	[tilespmem:s5+$0x110] =	vst v6;
	v4 =	vld [tilespmem:s5+$0x1D0]  }
0xd2: {  	[tilespmem:s5+$0x150] =	vst v5;
	v5 =	vld [tilespmem:s5+$0x190]  }
0xd3: {  	[tilespmem:s5+$0x170] =	vst v1;
	v1 =	vld [tilespmem:s5+$0x1F0]  }
0xd4: {  	v3 =	vld.idx.msk [tilespmem:v3+s21+$0x0], $0xffff  }
0xd5: {  	v6 =	vld [tilespmem:s5+$0x1B0]  }
0xd6: {  	v7 =	vld [tilespmem:s5+$0x1A0]  }
0xd7: {  	v8 =	vld [tilespmem:s5+$0x1C0]  }
0xd8: {  	v9 =	vld [tilespmem:s5+$0x1E0];
	_ =	sdelay $0x1  }
0xd9: {  	s6 =	sadd.s32 s9, s29;
	v2 =	vmul.f32 v2, v3;
	v5 =	vmul.f32 v5, v3  }
0xda: {  	s9 =	sadd.s32 $0x8, s6;
	s10 =	sadd.s32 $0x9, s6;
	s11 =	sadd.s32 $0xA, s6;
	v6 =	vmul.f32 v6, v3;
	v7 =	vmul.f32 v7, v3  }
0xdb: {  	s12 =	sadd.s32 $0xC, s6;
	s13 =	sadd.s32 $0xD, s6;
	v10 =	vmov s9;
	s9 =	sadd.s32 $0xB, s6;
	[tilespmem:s5+$0x180] =	vst v2;
	v8 =	vmul.f32 v8, v3;
	v2 =	vmul.f32 v4, v3  }
0xdc: {  	s14 =	sadd.s32 $0xE, s6;
	s6 =	sadd.s32 $0xF, s6;
	v1 =	vmul.f32 v1, v3;
	v4 =	vand.u32 $0xFFFFFFF8, v10;
	[tilespmem:s5+$0x190] =	vst v5;
	v5 =	vmul.f32 v9, v3  }
0xdd: {  	v9 =	vbroadcast v4, $0x0;
	v3 =	vmov s10;
	v4 =	vmov s11;
	[tilespmem:s5+$0x1D0] =	vst v2  }
0xde: {  	v10 =	vand.u32 $0xFFFFFFF9, v3;
	v11 =	vand.u32 $0xFFFFFFFA, v4;
	v2 =	vmov s9;
	[tilespmem:s5+$0x1A0] =	vst v7  }
0xdf: {  	v12 =	vmov s13;
	v4 =	vand.u32 $0xFFFFFFFB, v2;
	v2 =	vmov s12;
	v7 =	vld [tilespmem:s20+$0xFFFFFE50];
	[tilespmem:s5+$0x1F0] =	vst v1  }
0xe0: {  	v3 =	vand.u32 $0xFFFFFFFC, v2;
	v2 =	vand.u32 $0xFFFFFFFD, v12;
	v1 =	vmov s14;
	v13 =	vld [tilespmem:s20+$0xFFFFFE30];
	[tilespmem:s5+$0x1B0] =	vst v6  }
0xe1: {  	v1 =	vand.u32 $0xFFFFFFFE, v1;
	v6 =	vld [tilespmem:s20+$0xFFFFFE60];
	[tilespmem:s5+$0x1E0] =	vst v5  }
0xe2: {  	v5 =	vld [tilespmem:s20+$0xFFFFFE70];
	[tilespmem:s5+$0x1C0] =	vst v8;
	s5 =	smov.u32 s20  }
0xe3: {  	v8 =	vld.idx.msk [tilespmem:v9+s21+$0x0], $0xffff  }
0xe4: {  	v9 =	vld [tilespmem:s20+$0xFFFFFE00]  }
0xe5: {  	v12 =	vld [tilespmem:s20+$0xFFFFFE20]  }
0xe6: {  	v14 =	vld [tilespmem:s20+$0xFFFFFE10]  }
0xe7: {  	v15 =	vld [tilespmem:s20+$0xFFFFFE40];
	_ =	sdelay $0x1  }
0xe8: {  	v5 =	vmul.f32 v5, v8;
	v9 =	vmul.f32 v9, v8  }
0xe9: {  	v6 =	vmul.f32 v6, v8;
	v12 =	vmul.f32 v12, v8  }
0xea: {  	v13 =	vmul.f32 v13, v8;
	v14 =	vmul.f32 v14, v8;
	[tilespmem:s20+$0xFFFFFE70] =	vst v5  }
0xeb: {  	v7 =	vmul.f32 v7, v8;
	[tilespmem:s20+$0xFFFFFE00] =	vst v9;
	v5 =	vmul.f32 v15, v8  }
0xec: {  	v8 =	vbroadcast v10, $0x0;
	[tilespmem:s20+$0xFFFFFE20] =	vst v12  }
0xed: {  	[tilespmem:s20+$0xFFFFFE30] =	vst v13  }
0xee: {  	[tilespmem:s20+$0xFFFFFE50] =	vst v7;
	v7 =	vld [tilespmem:s20+$0xFFFFFEF0]  }
0xef: {  	[tilespmem:s20+$0xFFFFFE10] =	vst v14;
	v9 =	vld [tilespmem:s20+$0xFFFFFED0]  }
0xf0: {  	[tilespmem:s20+$0xFFFFFE60] =	vst v6;
	v6 =	vld [tilespmem:s20+$0xFFFFFEB0]  }
0xf1: {  	[tilespmem:s20+$0xFFFFFE40] =	vst v5;
	v5 =	vld [tilespmem:s20+$0xFFFFFEC0]  }
0xf2: {  	v8 =	vld.idx.msk [tilespmem:v8+s21+$0x0], $0xffff  }
0xf3: {  	v10 =	vld [tilespmem:s20+$0xFFFFFE90]  }
0xf4: {  	v12 =	vld [tilespmem:s20+$0xFFFFFE80]  }
0xf5: {  	v13 =	vld [tilespmem:s20+$0xFFFFFEA0]  }
0xf6: {  	v14 =	vld [tilespmem:s20+$0xFFFFFEE0];
	_ =	sdelay $0x1  }
0xf7: {  	v5 =	vmul.f32 v5, v8;
	v10 =	vmul.f32 v10, v8  }
0xf8: {  	v6 =	vmul.f32 v6, v8;
	v12 =	vmul.f32 v12, v8  }
0xf9: {  	v9 =	vmul.f32 v9, v8;
	[tilespmem:s20+$0xFFFFFE90] =	vst v10;
	v10 =	vmul.f32 v13, v8  }
0xfa: {  	v7 =	vmul.f32 v7, v8;
	[tilespmem:s20+$0xFFFFFEC0] =	vst v5;
	v5 =	vmul.f32 v14, v8  }
0xfb: {  	v8 =	vbroadcast v11, $0x0;
	[tilespmem:s20+$0xFFFFFE80] =	vst v12  }
0xfc: {  	[tilespmem:s20+$0xFFFFFED0] =	vst v9  }
0xfd: {  	[tilespmem:s20+$0xFFFFFEE0] =	vst v5;
	v5 =	vld [tilespmem:s20+$0xFFFFFF70]  }
0xfe: {  	[tilespmem:s20+$0xFFFFFEB0] =	vst v6;
	v6 =	vld [tilespmem:s20+$0xFFFFFF50]  }
0xff: {  	[tilespmem:s20+$0xFFFFFEF0] =	vst v7;
	v7 =	vld [tilespmem:s20+$0xFFFFFF20]  }
0x100: {  	[tilespmem:s20+$0xFFFFFEA0] =	vst v10;
	v9 =	vld [tilespmem:s20+$0xFFFFFF60]  }
0x101: {  	v8 =	vld.idx.msk [tilespmem:v8+s21+$0x0], $0xffff  }
0x102: {  	v10 =	vld [tilespmem:s20+$0xFFFFFF00]  }
0x103: {  	v11 =	vld [tilespmem:s20+$0xFFFFFF10]  }
0x104: {  	v12 =	vld [tilespmem:s20+$0xFFFFFF40]  }
0x105: {  	v13 =	vld [tilespmem:s20+$0xFFFFFF30];
	_ =	sdelay $0x1  }
0x106: {  	v9 =	vmul.f32 v9, v8;
	v10 =	vmul.f32 v10, v8  }
0x107: {  	v7 =	vmul.f32 v7, v8;
	v11 =	vmul.f32 v11, v8  }
0x108: {  	v6 =	vmul.f32 v6, v8;
	[tilespmem:s20+$0xFFFFFF00] =	vst v10;
	v10 =	vmul.f32 v12, v8  }
0x109: {  	v5 =	vmul.f32 v5, v8;
	v12 =	vmul.f32 v13, v8;
	[tilespmem:s20+$0xFFFFFF60] =	vst v9  }
0x10a: {  	v4 =	vbroadcast v4, $0x0;
	[tilespmem:s20+$0xFFFFFF10] =	vst v11  }
0x10b: {  	[tilespmem:s20+$0xFFFFFF50] =	vst v6  }
0x10c: {  	[tilespmem:s20+$0xFFFFFF70] =	vst v5;
	v5 =	vld [tilespmem:s20+$0xFFFFFFF0]  }
0x10d: {  	[tilespmem:s20+$0xFFFFFF20] =	vst v7;
	v6 =	vld [tilespmem:s20+$0xFFFFFFD0]  }
0x10e: {  	[tilespmem:s20+$0xFFFFFF30] =	vst v12;
	v7 =	vld [tilespmem:s20+$0xFFFFFF90]  }
0x10f: {  	[tilespmem:s20+$0xFFFFFF40] =	vst v10;
	v8 =	vld [tilespmem:s20+$0xFFFFFFE0]  }
0x110: {  	v4 =	vld.idx.msk [tilespmem:v4+s21+$0x0], $0xffff  }
0x111: {  	v9 =	vld [tilespmem:s20+$0xFFFFFFB0]  }
0x112: {  	v10 =	vld [tilespmem:s20+$0xFFFFFF80]  }
0x113: {  	v11 =	vld [tilespmem:s20+$0xFFFFFFC0]  }
0x114: {  	v12 =	vld [tilespmem:s20+$0xFFFFFFA0];
	_ =	sdelay $0x1  }
0x115: {  	v8 =	vmul.f32 v8, v4;
	v9 =	vmul.f32 v9, v4  }
0x116: {  	v7 =	vmul.f32 v7, v4;
	v10 =	vmul.f32 v10, v4  }
0x117: {  	v6 =	vmul.f32 v6, v4;
	[tilespmem:s20+$0xFFFFFFB0] =	vst v9;
	v9 =	vmul.f32 v11, v4  }
0x118: {  	v11 =	vmul.f32 v12, v4;
	[tilespmem:s20+$0xFFFFFFE0] =	vst v8;
	v4 =	vmul.f32 v5, v4  }
0x119: {  	v8 =	vbroadcast v3, $0x0;
	[tilespmem:s20+$0xFFFFFF80] =	vst v10  }
0x11a: {  	[tilespmem:s20+$0xFFFFFFD0] =	vst v6  }
0x11b: {  	[tilespmem:s20+$0xFFFFFFF0] =	vst v4;
	v10 =	vld [tilespmem:s20+$0x0]  }
0x11c: {  	[tilespmem:s20+$0xFFFFFFA0] =	vst v11;
	v3 =	vld [tilespmem:s20+$0x70]  }
0x11d: {  	[tilespmem:s20+$0xFFFFFF90] =	vst v7;
	v5 =	vld [tilespmem:s20+$0x50]  }
0x11e: {  	[tilespmem:s20+$0xFFFFFFC0] =	vst v9;
	v7 =	vld [tilespmem:s20+$0x20]  }
0x11f: {  	v4 =	vld.idx.msk [tilespmem:v8+s21+$0x0], $0xffff  }
0x120: {  	v12 =	vld [tilespmem:s20+$0x40]  }
.Ltmp1:
0x121: {  	v8 =	vld [tilespmem:s20+$0x30];
	(pc) =	sbr.rel @p2 .LBB2_5-.Ltmp1, $3  }
0x122: {  	v6 =	vld [tilespmem:s20+$0x10]  }
0x123: {  	v9 =	vld [tilespmem:s20+$0x60];
	_ =	sdelay $0x1  }
0x124: {  	v11 =	vmul.f32 v10, v4;
	v10 =	vmul.f32 v12, v4  }
0x125: {  	_ = 	snop  }
0x126: {  	v7 =	vmul.f32 v7, v4;
	[tilespmem:s5+$0x0] =	vst v11  }
0x127: {  	v5 =	vmul.f32 v5, v4;
	[tilespmem:s5+$0x40] =	vst v10  }
0x128: {  	v3 =	vmul.f32 v3, v4;
	v2 =	vbroadcast v2, $0x0;
	[tilespmem:s5+$0x20] =	vst v7  }
0x129: {  	v35 =	vmul.f32 v8, v4;
	[tilespmem:s5+$0x50] =	vst v5  }
0x12a: {  	v36 =	vmul.f32 v9, v4;
	[tilespmem:s5+$0x70] =	vst v3  }
0x12b: {  	v3 =	vmul.f32 v6, v4;
	[tilespmem:s5+$0x30] =	vst v35  }
0x12c: {  	[tilespmem:s5+$0x60] =	vst v36  }
0x12d: {  	v37 =	vld [tilespmem:s5+$0x80];
	[tilespmem:s5+$0x10] =	vst v3  }
0x12e: {  	v2 =	vld.idx.msk [tilespmem:v2+s21+$0x0], $0xffff  }
0x12f: {  	v3 =	vld [tilespmem:s5+$0xA0]  }
0x130: {  	v38 =	vld [tilespmem:s5+$0xD0]  }
0x131: {  	v39 =	vld [tilespmem:s5+$0xC0]  }
0x132: {  	v41 =	vld [tilespmem:s5+$0xB0]  }
0x133: {  	v42 =	vld [tilespmem:s5+$0x90];
	v4 =	vmul.f32 v37, v2  }
0x134: {  	v40 =	vld [tilespmem:s5+$0xF0];
	v3 =	vmul.f32 v3, v2  }
0x135: {  	v43 =	vld [tilespmem:s5+$0xE0];
	v44 =	vmul.f32 v38, v2;
	[tilespmem:s5+$0x80] =	vst v4  }
0x136: {  	v45 =	vmul.f32 v39, v2;
	[tilespmem:s5+$0xA0] =	vst v3  }
0x137: {  	v1 =	vbroadcast v1, $0x0;
	v46 =	vmul.f32 v41, v2;
	[tilespmem:s5+$0xD0] =	vst v44  }
0x138: {  	v47 =	vmul.f32 v42, v2;
	[tilespmem:s5+$0xC0] =	vst v45  }
0x139: {  	v3 =	vmul.f32 v40, v2;
	[tilespmem:s5+$0xB0] =	vst v46  }
0x13a: {  	v2 =	vmul.f32 v43, v2;
	[tilespmem:s5+$0x90] =	vst v47  }
0x13b: {  	[tilespmem:s5+$0xF0] =	vst v3  }
0x13c: {  	v3 =	vld [tilespmem:s5+$0x100];
	[tilespmem:s5+$0xE0] =	vst v2  }
0x13d: {  	v1 =	vld.idx.msk [tilespmem:v1+s21+$0x0], $0xffff  }
0x13e: {  	v2 =	vld [tilespmem:s5+$0x120]  }
0x13f: {  	v48 =	vld [tilespmem:s5+$0x130]  }
0x140: {  	v49 =	vld [tilespmem:s5+$0x140]  }
0x141: {  	v51 =	vld [tilespmem:s5+$0x110]  }
0x142: {  	v52 =	vld [tilespmem:s5+$0x150];
	v3 =	vmul.f32 v3, v1  }
0x143: {  	v50 =	vld [tilespmem:s5+$0x160];
	v2 =	vmul.f32 v2, v1  }
0x144: {  	v53 =	vld [tilespmem:s5+$0x170];
	v4 =	vmul.f32 v48, v1;
	[tilespmem:s5+$0x100] =	vst v3  }
0x145: {  	v3 =	vmul.f32 v49, v1;
	[tilespmem:s5+$0x120] =	vst v2  }
0x146: {  	v54 =	vmul.f32 v51, v1;
	[tilespmem:s5+$0x130] =	vst v4  }
0x147: {  	v55 =	vmul.f32 v52, v1;
	[tilespmem:s5+$0x140] =	vst v3;
	v3 =	vmov s6  }
0x148: {  	v2 =	vmul.f32 v50, v1;
	[tilespmem:s5+$0x110] =	vst v54  }
0x149: {  	v1 =	vmul.f32 v53, v1;
	[tilespmem:s5+$0x150] =	vst v55  }
0x14a: {  	[tilespmem:s5+$0x160] =	vst v2  }
0x14b: {  	v2 =	vld [tilespmem:s5+$0x180];
	[tilespmem:s5+$0x170] =	vst v1  }
0x14c: {  	v1 =	vld.idx.msk [tilespmem:v3+s21+$0x0], $0xffff  }
0x14d: {  	v56 =	vld [tilespmem:s5+$0x190]  }
0x14e: {  	v58 =	vld [tilespmem:s5+$0x1F0]  }
0x14f: {  	v3 =	vld [tilespmem:s5+$0x1D0]  }
0x150: {  	v57 =	vld [tilespmem:s5+$0x1A0]  }
0x151: {  	v59 =	vld [tilespmem:s5+$0x1B0];
	v2 =	vmul.f32 v2, v1  }
0x152: {  	v60 =	vld [tilespmem:s5+$0x1E0];
	v4 =	vmul.f32 v56, v1  }
0x153: {  	v61 =	vld [tilespmem:s5+$0x1C0];
	v62 =	vmul.f32 v58, v1;
	[tilespmem:s5+$0x180] =	vst v2  }
0x154: {  	v2 =	vmul.f32 v3, v1;
	[tilespmem:s5+$0x190] =	vst v4  }
0x155: {  	v3 =	vmul.f32 v57, v1;
	[tilespmem:s5+$0x1F0] =	vst v62  }
0x156: {  	[tilespmem:s5+$0x1D0] =	vst v2;
	v2 =	vmul.f32 v59, v1  }
0x157: {  	[tilespmem:s5+$0x1A0] =	vst v3;
	v3 =	vmul.f32 v60, v1  }
0x158: {  	s13 =	smul.u32 $0x140, s31;
	v1 =	vmul.f32 v61, v1;
	[tilespmem:s5+$0x1B0] =	vst v2  }
0x159: {  	[tilespmem:s5+$0x1E0] =	vst v3  }
0x15a: {  	s14 =	sshra.s32 s13, $0x2;
	[tilespmem:s5+$0x1C0] =	vst v1  }
0x15b: {  	v1 =	vld [tilespmem:s14+$0x2780];
	_ =	sdelay $0x3  }
0x15c: {  	s1 =	sshll.u32 s1, $0x7  }
0x15d: {  	[tilespmem:s1+$0xC680] =	vst v1  }
0x15e: {  	v1 =	vld [tilespmem:s14+$0x2790];
	_ =	sdelay $0x4  }
0x15f: {  	[tilespmem:s1+$0xC690] =	vst v1  }
0x160: {  	v1 =	vld [tilespmem:s14+$0x27A0];
	_ =	sdelay $0x4  }
0x161: {  	[tilespmem:s1+$0xC6A0] =	vst v1  }
0x162: {  	v1 =	vld [tilespmem:s14+$0x27B0];
	_ =	sdelay $0x4  }
0x163: {  	[tilespmem:s1+$0xC6B0] =	vst v1  }
0x164: {  	v1 =	vld [tilespmem:s14+$0x27C0];
	_ =	sdelay $0x3  }
0x165: {  	p2 =	sne.s32 s30, $0x7D  }
.Ltmp2:
0x166: {  	s20 =	sadd.s32 $0xC680, s1;
	[tilespmem:s1+$0xC6C0] =	vst v1;
	(pc) =	sbr.rel @p2 .LBB2_4-.Ltmp2, $4  }
0x167: {  	[spmem:s3] =	stream.indirect.scatter.add.f32 [tilespmem:s2], [sflag:$0x3], $0x80, s20, s25, $0xb8;
	v63 =	vld [tilespmem:$0x0]  }
0x168: {  	_ =	swait.ge [sflag:s23], $0x2800  }
0x169: {  	s29 =	sadd.s32 $0x50, s29;
	[sflag:s23] =	ssyncset.done $0x0  }
0x16a: {  	p1 =	por !p1, !p1;
	s31 =	smov.u32 s30;
	[sflag:s23] =	ssyncadd.s32 $0xFFFFD800  }
0x16b: {  	s1 =	stileid.u32  }
0x16c: {  	s1 =	sshll.u32 s1, $0x6  }
0x16d: {  	[bflag:$0x0] =	sbarrier.arrive $0xFFFF;
	s2 =	sshrl.u32 s7, $0x3;
	s1 =	sor.u32 $0x1C03, s1  }
0x16e: {  	[hbm:s17], [sflag:s1] =	dma.local [spmem:s2], $0x2700  }
0x16f: {  	_ =	swait.ge [sflag:s23], $0x2700  }
0x170: {  	s28 =	sadd.s32 $0x1, s28;
	[sflag:s23] =	ssyncset.done $0x0  }
0x171: {  	p1 =	sne.s32 s28, s19;
	s2 =	sshrl.u32 @!p0 s16, $0x3;
	[sflag:s23] =	ssyncadd.s32 $0xFFFFD900  }
0x172: {  	[hbm:s18], [sflag:s1] =	dma.local @!p0 [spmem:s2], $0x100  }
.Ltmp3:
0x173: {  	_ = 	snop;
	(pc) =	sbr.rel @p1 .LBB2_1-.Ltmp3, $4  }
0x174: {  	s1 =	simm.s32 @!p0 $0x3  }
0x175: {  	_ =	swait.ge @!p0 [sflag:s1], $0x100  }
0x176: {  	[sflag:s1] =	ssyncset.done @!p0 $0x0  }
0x177: {  	[sflag:s1] =	ssyncadd.s32 @!p0 $0xFFFFFF00  }
0x178: {  	_ =	sfence.sel $0x180000  }
0x179: {  	[bflag:$0x0] =	sbarrier.arrive $0xFFFF  }
0x17a: {  	_ =	strace $0x90000047  }
0x17b: {  	[bflag:$0x2] =	sbarrier.arrive $0xFFFF  }
0x17c: {  	s0 =	rddreg [dreg:$0x5]  }
0x17d: {  	s0 =	sadd.s32 @!p0 $0x100000, s0  }
0x17e: {  	[sflag:s0] =	ssyncadd.tile.s32 @!p0 $0x1;
	_ =	shalt  }
.Lfunc_end2:
_tile_overlayer_lowered:
.L_overlay_start_2:
0x17f: {  	(tag) =	ssettag $0x2  }
0x180: {  	s0 =	rddreg [dreg:$0x0];
	s2 =	stileid.u32  }
0x181: {  	s1 =	rddreg [dreg:$0x1];
	p0 =	sne.s32 s2, $0x0  }
0x182: {  	s3 =	rddreg [dreg:$0x2];
	[bflag:$0x3] =	sbarrier.arrive $0xFFFF;
	s2 =	simm.s32 @!p0 $0x1C03  }
0x183: {  	[timem:s3], [sflag:s2] =	dma.local @!p0 [hbm:s0], s1  }
0x184: {  	s0 =	simm.s32 @!p0 $0x3  }
0x185: {  	_ =	swait.ge @!p0 [sflag:s0], s1  }
0x186: {  	s1 =	ssub.s32 @!p0 $0x0, s1;
	[sflag:s0] =	ssyncset.done @!p0 $0x0  }
0x187: {  	[sflag:s0] =	ssyncadd.s32 @!p0 s1  }
0x188: {  	[bflag:$0x3] =	sbarrier.arrive $0xFFFF  }
0x189: {  	_ =	shalt  }

</sc_bundles>
